<compile_context>
chip_gen: v7x
topology: tpu7x:2x2x1
jax: 0.10.2.dev20260603
libtpu: 0.0.44.dev20260713+nightly
codegen_flags: <defaults>
</compile_context>

<pallas_src>
import functools

import jax
import jax.numpy as jnp
from jax import lax
from jax.experimental import pallas as pl
from jax.experimental.pallas import tpu as pltpu
from jax.experimental.pallas import tpu_sc as plsc

_N_E = 8192
_E_DIM = 256
_BETA = 0.25
_N_TOK = 18432

_BN = 2048
_BE = 4096
_NJ = _N_E // _BE
_NB = _N_TOK // _BN

_LOSS_SCALE = (1.0 + _BETA) / (_N_TOK * _E_DIM)


def _argmin_body(zn_ref, en_ref, z_ref, e_ref, idx_ref, loss_ref):
    i = pl.program_id(0)
    z2 = -2.0 * z_ref[...]
    zn = zn_ref[...]
    run_min = jnp.full((_BN, 1), jnp.inf, jnp.float32)
    run_idx = jnp.zeros((_BN, 1), jnp.float32)
    lanes_f = lax.broadcasted_iota(jnp.int32, (_BN, 128), 1) \
        .astype(jnp.float32)
    for j in range(_NJ):
        e_blk = e_ref[j * _BE:(j + 1) * _BE, :]
        en_blk = en_ref[:, j * _BE:(j + 1) * _BE]
        t2 = lax.dot_general(z2, e_blk, (((1,), (1,)), ((), ())),
                             preferred_element_type=jnp.float32)
        m = (zn + en_blk[:, :128]) + t2[:, :128]
        gid = jnp.zeros((_BN, 128), jnp.float32)
        for g in range(1, _BE // 128):
            v = (zn + en_blk[:, g * 128:(g + 1) * 128]) \
                + t2[:, g * 128:(g + 1) * 128]
            upd = v < m
            gid = jnp.where(upd, float(g), gid)
            m = jnp.minimum(m, v)
        lmin = jnp.min(m, axis=1, keepdims=True)
        key = jnp.where(m == lmin, gid * 128.0 + lanes_f, float(_N_E))
        lidx = jnp.min(key, axis=1, keepdims=True) + float(j * _BE)
        better = lmin < run_min
        run_idx = jnp.where(better, lidx, run_idx)
        run_min = jnp.where(better, lmin, run_min)
    idx_ref[...] = run_idx.astype(jnp.int32)

    @pl.when(i == 0)
    def _():
        loss_ref[...] = jnp.zeros_like(loss_ref)

    loss_ref[...] = loss_ref[...] + jnp.sum(run_min)

    @pl.when(i == _NB - 1)
    def _():
        loss_ref[...] = loss_ref[...] * _LOSS_SCALE


_argmin_call = pl.pallas_call(
    _argmin_body,
    grid=(_NB,),
    in_specs=[
        pl.BlockSpec((_BN, 1), lambda i: (i, 0)),
        pl.BlockSpec((1, _N_E), lambda i: (0, 0)),
        pl.BlockSpec((_BN, _E_DIM), lambda i: (i, 0)),
        pl.BlockSpec((_N_E, _E_DIM), lambda i: (0, 0)),
    ],
    out_specs=[
        pl.BlockSpec((_BN, 1), lambda i: (i, 0)),
        pl.BlockSpec((1, 1), lambda i: (0, 0)),
    ],
    out_shape=[
        jax.ShapeDtypeStruct((_N_TOK, 1), jnp.int32),
        jax.ShapeDtypeStruct((1, 1), jnp.float32),
    ],
)


_NC = 2
_NS = 16
_NW = _NC * _NS
_BPW = _N_TOK // _NW
_CH = 96
_NCH = _BPW // _CH


def _gather_body(idx_hbm, tab_hbm, out_hbm, idx_v, rows_v, sem):
    wid = lax.axis_index("s") * _NC + lax.axis_index("c")
    base = wid * _BPW
    for c in range(_NCH):
        off = base + c * _CH
        pltpu.sync_copy(idx_hbm.at[pl.ds(off, _CH)], idx_v)
        pltpu.async_copy(tab_hbm.at[idx_v], rows_v, sem).wait()
        pltpu.sync_copy(rows_v, out_hbm.at[pl.ds(off, _CH)])


@functools.cache
def _get_gather_call():
    return pl.kernel(
        _gather_body,
        out_type=jax.ShapeDtypeStruct((_N_TOK, _E_DIM), jnp.float32),
        mesh=plsc.VectorSubcoreMesh(core_axis_name="c", subcore_axis_name="s",
                                    num_cores=_NC, num_subcores=_NS),
        scratch_types=[
            pltpu.VMEM((_CH,), jnp.int32),
            pltpu.VMEM((_CH, _E_DIM), jnp.float32),
            pltpu.SemaphoreType.DMA,
        ],
    )


def kernel(z, embedding_weight):
    zn = jnp.sum(z ** 2, axis=1, keepdims=True)
    en = jnp.sum(embedding_weight ** 2, axis=1).reshape(1, _N_E)
    idx2, loss = _argmin_call(zn, en, z, embedding_weight)
    z_q = _get_gather_call()(idx2.reshape(_N_TOK), embedding_weight)
    return (z_q, loss.reshape(()))

# --- scband reference (transcript-rebuilt; emitter-appended) ---
"""Pipeline reference for scband-vector-quantizer-62594853372132 (READ-ONLY COPY).

The authoritative reference and input builder live on the scoring server;
editing this copy changes nothing except your own understanding.
"""

import jax, jax.numpy as jnp
import numpy as np

N_E = 8192
E_DIM = 256
BETA = 0.25
N_TOK = 18432


def setup_inputs(seed: int = 0) -> dict:
    key = jax.random.key(seed)
    k1, k2 = jax.random.split(key)
    z = jax.random.normal(k1, (N_TOK, E_DIM), dtype=jnp.float32)
    embedding_weight = jax.random.uniform(
        k2, (N_E, E_DIM), minval=-1.0 / N_E, maxval=1.0 / N_E, dtype=jnp.float32
    )
    return {"z": z, "embedding_weight": embedding_weight}


def reference(z, embedding_weight):
    # distances: ||z||^2 + ||e||^2 - 2 z e^T
    d = (
        jnp.sum(z ** 2, axis=1, keepdims=True)
        + jnp.sum(embedding_weight ** 2, axis=1)
        - 2.0 * jnp.matmul(z, embedding_weight.T)
    )
    min_encoding_indices = jnp.argmin(d, axis=1)
    # one-hot scatter (scatter_(1, idx, 1) equivalent)
    min_encodings = jax.nn.one_hot(min_encoding_indices, N_E, dtype=z.dtype)
    z_q = jnp.matmul(min_encodings, embedding_weight).reshape(z.shape)
    sg = jax.lax.stop_gradient
    loss = jnp.mean((sg(z) - z_q) ** 2) + BETA * jnp.mean((z - sg(z_q)) ** 2)
    z_q_out = z + sg(z_q - z)
    return (z_q_out, loss)

if __name__ == "__main__":
    import jax
    _d = setup_inputs()
    print(jax.jit(kernel)(*tuple(_d.values())))

</pallas_src>

<mosaic_0001>
#map = affine_map<(d0, d1) -> (0)>
#map1 = affine_map<(d0, d1) -> (0, 0)>
module attributes {stable_mosaic.version = 14 : i64} {
  func.func @_gather_body(%arg0: i32, %arg1: i32, %arg2: memref<18432xi32, #tpu.memory_space<hbm>>, %arg3: memref<8192x256xf32, #tpu.memory_space<hbm>>, %arg4: memref<18432x256xf32, #tpu.memory_space<hbm>>, %arg5: memref<96xi32, #tpu.memory_space<vmem>>, %arg6: memref<96x256xf32, #tpu.memory_space<vmem>>, %arg7: memref<!tpu.dma_semaphore, #tpu.memory_space<semaphore_mem>>) attributes {dimension_semantics = [#tpu.dimension_semantics<core_parallel>, #tpu.dimension_semantics<subcore_parallel>], iteration_bounds = array<i64: 2, 16>, scalar_prefetch = 0 : i64, scratch_operands = 3 : i64, tpu.core_type = #tpu.core_type<sc_vector_subcore>, window_params = [{transform_indices = #map}, {transform_indices = #map1}, {transform_indices = #map1}]} {
    %mul3A = arith.constant 2 : i32
    %mul3A_0 = arith.muli %arg1, %mul3A : i32
    %add3A = arith.addi %mul3A_0, %arg0 : i32
    %mul3A_1 = arith.constant 576 : i32
    %mul3A_2 = arith.muli %add3A, %mul3A_1 : i32
    %add3A_3 = arith.constant 0 : i32
    %add3A_4 = arith.addi %mul3A_2, %add3A_3 : i32
    "tpu.region"() ({
      %run_scoped3A = tpu.sem_alloc : memref<!tpu.dma_semaphore, #tpu.memory_space<semaphore_mem>>
      %dma_start3A_49 = tpu.memref_slice %arg2[%add3A_4] : memref<18432xi32, #tpu.memory_space<hbm>> -> memref<96xi32, #tpu.memory_space<hbm>>
      %dma_start3A_50 = tpu.memref_slice %arg2[%add3A_4] : memref<18432xi32, #tpu.memory_space<hbm>> -> memref<96xi32, #tpu.memory_space<hbm>>
      tpu.enqueue_dma source(%dma_start3A_50 : memref<96xi32, #tpu.memory_space<hbm>>) target(%arg5 : memref<96xi32, #tpu.memory_space<vmem>>) target_semaphore(%run_scoped3A : memref<!tpu.dma_semaphore, #tpu.memory_space<semaphore_mem>>)
      %dma_wait3A_51 = tpu.memref_slice %arg2[%add3A_4] : memref<18432xi32, #tpu.memory_space<hbm>> -> memref<96xi32, #tpu.memory_space<hbm>>
      %dma_wait3A_52 = tpu.memref_slice %arg2[%add3A_4] : memref<18432xi32, #tpu.memory_space<hbm>> -> memref<96xi32, #tpu.memory_space<hbm>>
      tpu.wait_dma2 semaphore(%run_scoped3A : memref<!tpu.dma_semaphore, #tpu.memory_space<semaphore_mem>>) src(%dma_wait3A_52 : memref<96xi32, #tpu.memory_space<hbm>>) dst(%arg5 : memref<96xi32, #tpu.memory_space<vmem>>)
      tpu.yield
    }) : () -> ()
    %dma_start3A = arith.constant 0 : i32
    %dma_start3A_5 = arith.constant 0 : i32
    %dma_start3A_6 = tpu.memref_slice %arg3[%dma_start3A, %dma_start3A_5] : memref<8192x256xf32, #tpu.memory_space<hbm>> -> memref<8192x256xf32, #tpu.memory_space<hbm>>
    tpu.enqueue_indirect_dma source(%dma_start3A_6 : memref<8192x256xf32, #tpu.memory_space<hbm>>) target(%arg6 : memref<96x256xf32, #tpu.memory_space<vmem>>) offsets(%arg5 : memref<96xi32, #tpu.memory_space<vmem>>) semaphore(%arg7 : memref<!tpu.dma_semaphore, #tpu.memory_space<semaphore_mem>>)
    %dma_wait3A = arith.constant 0 : i32
    %dma_wait3A_7 = arith.constant 0 : i32
    %dma_wait3A_8 = tpu.memref_slice %arg3[%dma_wait3A, %dma_wait3A_7] : memref<8192x256xf32, #tpu.memory_space<hbm>> -> memref<8192x256xf32, #tpu.memory_space<hbm>>
    tpu.wait_indirect_dma semaphore(%arg7 : memref<!tpu.dma_semaphore, #tpu.memory_space<semaphore_mem>>) src(%dma_wait3A_8 : memref<8192x256xf32, #tpu.memory_space<hbm>>) dst(%arg6 : memref<96x256xf32, #tpu.memory_space<vmem>>)
    "tpu.region"() ({
      %run_scoped3A = tpu.sem_alloc : memref<!tpu.dma_semaphore, #tpu.memory_space<semaphore_mem>>
      %dma_start3A_49 = arith.constant 0 : i32
      %dma_start3A_50 = tpu.memref_slice %arg4[%add3A_4, %dma_start3A_49] : memref<18432x256xf32, #tpu.memory_space<hbm>> -> memref<96x256xf32, #tpu.memory_space<hbm>>
      %dma_start3A_51 = arith.constant 0 : i32
      %dma_start3A_52 = tpu.memref_slice %arg4[%add3A_4, %dma_start3A_51] : memref<18432x256xf32, #tpu.memory_space<hbm>> -> memref<96x256xf32, #tpu.memory_space<hbm>>
      tpu.enqueue_dma source(%arg6 : memref<96x256xf32, #tpu.memory_space<vmem>>) target(%dma_start3A_52 : memref<96x256xf32, #tpu.memory_space<hbm>>) target_semaphore(%run_scoped3A : memref<!tpu.dma_semaphore, #tpu.memory_space<semaphore_mem>>)
      %dma_wait3A_53 = arith.constant 0 : i32
      %dma_wait3A_54 = tpu.memref_slice %arg4[%add3A_4, %dma_wait3A_53] : memref<18432x256xf32, #tpu.memory_space<hbm>> -> memref<96x256xf32, #tpu.memory_space<hbm>>
      %dma_wait3A_55 = arith.constant 0 : i32
      %dma_wait3A_56 = tpu.memref_slice %arg4[%add3A_4, %dma_wait3A_55] : memref<18432x256xf32, #tpu.memory_space<hbm>> -> memref<96x256xf32, #tpu.memory_space<hbm>>
      tpu.wait_dma2 semaphore(%run_scoped3A : memref<!tpu.dma_semaphore, #tpu.memory_space<semaphore_mem>>) src(%arg6 : memref<96x256xf32, #tpu.memory_space<vmem>>) dst(%dma_wait3A_56 : memref<96x256xf32, #tpu.memory_space<hbm>>)
      tpu.yield
    }) : () -> ()
    %add3A_9 = arith.constant 96 : i32
    %add3A_10 = arith.addi %mul3A_2, %add3A_9 : i32
    "tpu.region"() ({
      %run_scoped3A = tpu.sem_alloc : memref<!tpu.dma_semaphore, #tpu.memory_space<semaphore_mem>>
      %dma_start3A_49 = tpu.memref_slice %arg2[%add3A_10] : memref<18432xi32, #tpu.memory_space<hbm>> -> memref<96xi32, #tpu.memory_space<hbm>>
      %dma_start3A_50 = tpu.memref_slice %arg2[%add3A_10] : memref<18432xi32, #tpu.memory_space<hbm>> -> memref<96xi32, #tpu.memory_space<hbm>>
      tpu.enqueue_dma source(%dma_start3A_50 : memref<96xi32, #tpu.memory_space<hbm>>) target(%arg5 : memref<96xi32, #tpu.memory_space<vmem>>) target_semaphore(%run_scoped3A : memref<!tpu.dma_semaphore, #tpu.memory_space<semaphore_mem>>)
      %dma_wait3A_51 = tpu.memref_slice %arg2[%add3A_10] : memref<18432xi32, #tpu.memory_space<hbm>> -> memref<96xi32, #tpu.memory_space<hbm>>
      %dma_wait3A_52 = tpu.memref_slice %arg2[%add3A_10] : memref<18432xi32, #tpu.memory_space<hbm>> -> memref<96xi32, #tpu.memory_space<hbm>>
      tpu.wait_dma2 semaphore(%run_scoped3A : memref<!tpu.dma_semaphore, #tpu.memory_space<semaphore_mem>>) src(%dma_wait3A_52 : memref<96xi32, #tpu.memory_space<hbm>>) dst(%arg5 : memref<96xi32, #tpu.memory_space<vmem>>)
      tpu.yield
    }) : () -> ()
    %dma_start3A_11 = arith.constant 0 : i32
    %dma_start3A_12 = arith.constant 0 : i32
    %dma_start3A_13 = tpu.memref_slice %arg3[%dma_start3A_11, %dma_start3A_12] : memref<8192x256xf32, #tpu.memory_space<hbm>> -> memref<8192x256xf32, #tpu.memory_space<hbm>>
    tpu.enqueue_indirect_dma source(%dma_start3A_13 : memref<8192x256xf32, #tpu.memory_space<hbm>>) target(%arg6 : memref<96x256xf32, #tpu.memory_space<vmem>>) offsets(%arg5 : memref<96xi32, #tpu.memory_space<vmem>>) semaphore(%arg7 : memref<!tpu.dma_semaphore, #tpu.memory_space<semaphore_mem>>)
    %dma_wait3A_14 = arith.constant 0 : i32
    %dma_wait3A_15 = arith.constant 0 : i32
    %dma_wait3A_16 = tpu.memref_slice %arg3[%dma_wait3A_14, %dma_wait3A_15] : memref<8192x256xf32, #tpu.memory_space<hbm>> -> memref<8192x256xf32, #tpu.memory_space<hbm>>
    tpu.wait_indirect_dma semaphore(%arg7 : memref<!tpu.dma_semaphore, #tpu.memory_space<semaphore_mem>>) src(%dma_wait3A_16 : memref<8192x256xf32, #tpu.memory_space<hbm>>) dst(%arg6 : memref<96x256xf32, #tpu.memory_space<vmem>>)
    "tpu.region"() ({
      %run_scoped3A = tpu.sem_alloc : memref<!tpu.dma_semaphore, #tpu.memory_space<semaphore_mem>>
      %dma_start3A_49 = arith.constant 0 : i32
      %dma_start3A_50 = tpu.memref_slice %arg4[%add3A_10, %dma_start3A_49] : memref<18432x256xf32, #tpu.memory_space<hbm>> -> memref<96x256xf32, #tpu.memory_space<hbm>>
      %dma_start3A_51 = arith.constant 0 : i32
      %dma_start3A_52 = tpu.memref_slice %arg4[%add3A_10, %dma_start3A_51] : memref<18432x256xf32, #tpu.memory_space<hbm>> -> memref<96x256xf32, #tpu.memory_space<hbm>>
      tpu.enqueue_dma source(%arg6 : memref<96x256xf32, #tpu.memory_space<vmem>>) target(%dma_start3A_52 : memref<96x256xf32, #tpu.memory_space<hbm>>) target_semaphore(%run_scoped3A : memref<!tpu.dma_semaphore, #tpu.memory_space<semaphore_mem>>)
      %dma_wait3A_53 = arith.constant 0 : i32
      %dma_wait3A_54 = tpu.memref_slice %arg4[%add3A_10, %dma_wait3A_53] : memref<18432x256xf32, #tpu.memory_space<hbm>> -> memref<96x256xf32, #tpu.memory_space<hbm>>
      %dma_wait3A_55 = arith.constant 0 : i32
      %dma_wait3A_56 = tpu.memref_slice %arg4[%add3A_10, %dma_wait3A_55] : memref<18432x256xf32, #tpu.memory_space<hbm>> -> memref<96x256xf32, #tpu.memory_space<hbm>>
      tpu.wait_dma2 semaphore(%run_scoped3A : memref<!tpu.dma_semaphore, #tpu.memory_space<semaphore_mem>>) src(%arg6 : memref<96x256xf32, #tpu.memory_space<vmem>>) dst(%dma_wait3A_56 : memref<96x256xf32, #tpu.memory_space<hbm>>)
      tpu.yield
    }) : () -> ()
    %add3A_17 = arith.constant 192 : i32
    %add3A_18 = arith.addi %mul3A_2, %add3A_17 : i32
    "tpu.region"() ({
      %run_scoped3A = tpu.sem_alloc : memref<!tpu.dma_semaphore, #tpu.memory_space<semaphore_mem>>
      %dma_start3A_49 = tpu.memref_slice %arg2[%add3A_18] : memref<18432xi32, #tpu.memory_space<hbm>> -> memref<96xi32, #tpu.memory_space<hbm>>
      %dma_start3A_50 = tpu.memref_slice %arg2[%add3A_18] : memref<18432xi32, #tpu.memory_space<hbm>> -> memref<96xi32, #tpu.memory_space<hbm>>
      tpu.enqueue_dma source(%dma_start3A_50 : memref<96xi32, #tpu.memory_space<hbm>>) target(%arg5 : memref<96xi32, #tpu.memory_space<vmem>>) target_semaphore(%run_scoped3A : memref<!tpu.dma_semaphore, #tpu.memory_space<semaphore_mem>>)
      %dma_wait3A_51 = tpu.memref_slice %arg2[%add3A_18] : memref<18432xi32, #tpu.memory_space<hbm>> -> memref<96xi32, #tpu.memory_space<hbm>>
      %dma_wait3A_52 = tpu.memref_slice %arg2[%add3A_18] : memref<18432xi32, #tpu.memory_space<hbm>> -> memref<96xi32, #tpu.memory_space<hbm>>
      tpu.wait_dma2 semaphore(%run_scoped3A : memref<!tpu.dma_semaphore, #tpu.memory_space<semaphore_mem>>) src(%dma_wait3A_52 : memref<96xi32, #tpu.memory_space<hbm>>) dst(%arg5 : memref<96xi32, #tpu.memory_space<vmem>>)
      tpu.yield
    }) : () -> ()
    %dma_start3A_19 = arith.constant 0 : i32
    %dma_start3A_20 = arith.constant 0 : i32
    %dma_start3A_21 = tpu.memref_slice %arg3[%dma_start3A_19, %dma_start3A_20] : memref<8192x256xf32, #tpu.memory_space<hbm>> -> memref<8192x256xf32, #tpu.memory_space<hbm>>
    tpu.enqueue_indirect_dma source(%dma_start3A_21 : memref<8192x256xf32, #tpu.memory_space<hbm>>) target(%arg6 : memref<96x256xf32, #tpu.memory_space<vmem>>) offsets(%arg5 : memref<96xi32, #tpu.memory_space<vmem>>) semaphore(%arg7 : memref<!tpu.dma_semaphore, #tpu.memory_space<semaphore_mem>>)
    %dma_wait3A_22 = arith.constant 0 : i32
    %dma_wait3A_23 = arith.constant 0 : i32
    %dma_wait3A_24 = tpu.memref_slice %arg3[%dma_wait3A_22, %dma_wait3A_23] : memref<8192x256xf32, #tpu.memory_space<hbm>> -> memref<8192x256xf32, #tpu.memory_space<hbm>>
    tpu.wait_indirect_dma semaphore(%arg7 : memref<!tpu.dma_semaphore, #tpu.memory_space<semaphore_mem>>) src(%dma_wait3A_24 : memref<8192x256xf32, #tpu.memory_space<hbm>>) dst(%arg6 : memref<96x256xf32, #tpu.memory_space<vmem>>)
    "tpu.region"() ({
      %run_scoped3A = tpu.sem_alloc : memref<!tpu.dma_semaphore, #tpu.memory_space<semaphore_mem>>
      %dma_start3A_49 = arith.constant 0 : i32
      %dma_start3A_50 = tpu.memref_slice %arg4[%add3A_18, %dma_start3A_49] : memref<18432x256xf32, #tpu.memory_space<hbm>> -> memref<96x256xf32, #tpu.memory_space<hbm>>
      %dma_start3A_51 = arith.constant 0 : i32
      %dma_start3A_52 = tpu.memref_slice %arg4[%add3A_18, %dma_start3A_51] : memref<18432x256xf32, #tpu.memory_space<hbm>> -> memref<96x256xf32, #tpu.memory_space<hbm>>
      tpu.enqueue_dma source(%arg6 : memref<96x256xf32, #tpu.memory_space<vmem>>) target(%dma_start3A_52 : memref<96x256xf32, #tpu.memory_space<hbm>>) target_semaphore(%run_scoped3A : memref<!tpu.dma_semaphore, #tpu.memory_space<semaphore_mem>>)
      %dma_wait3A_53 = arith.constant 0 : i32
      %dma_wait3A_54 = tpu.memref_slice %arg4[%add3A_18, %dma_wait3A_53] : memref<18432x256xf32, #tpu.memory_space<hbm>> -> memref<96x256xf32, #tpu.memory_space<hbm>>
      %dma_wait3A_55 = arith.constant 0 : i32
      %dma_wait3A_56 = tpu.memref_slice %arg4[%add3A_18, %dma_wait3A_55] : memref<18432x256xf32, #tpu.memory_space<hbm>> -> memref<96x256xf32, #tpu.memory_space<hbm>>
      tpu.wait_dma2 semaphore(%run_scoped3A : memref<!tpu.dma_semaphore, #tpu.memory_space<semaphore_mem>>) src(%arg6 : memref<96x256xf32, #tpu.memory_space<vmem>>) dst(%dma_wait3A_56 : memref<96x256xf32, #tpu.memory_space<hbm>>)
      tpu.yield
    }) : () -> ()
    %add3A_25 = arith.constant 288 : i32
    %add3A_26 = arith.addi %mul3A_2, %add3A_25 : i32
    "tpu.region"() ({
      %run_scoped3A = tpu.sem_alloc : memref<!tpu.dma_semaphore, #tpu.memory_space<semaphore_mem>>
      %dma_start3A_49 = tpu.memref_slice %arg2[%add3A_26] : memref<18432xi32, #tpu.memory_space<hbm>> -> memref<96xi32, #tpu.memory_space<hbm>>
      %dma_start3A_50 = tpu.memref_slice %arg2[%add3A_26] : memref<18432xi32, #tpu.memory_space<hbm>> -> memref<96xi32, #tpu.memory_space<hbm>>
      tpu.enqueue_dma source(%dma_start3A_50 : memref<96xi32, #tpu.memory_space<hbm>>) target(%arg5 : memref<96xi32, #tpu.memory_space<vmem>>) target_semaphore(%run_scoped3A : memref<!tpu.dma_semaphore, #tpu.memory_space<semaphore_mem>>)
      %dma_wait3A_51 = tpu.memref_slice %arg2[%add3A_26] : memref<18432xi32, #tpu.memory_space<hbm>> -> memref<96xi32, #tpu.memory_space<hbm>>
      %dma_wait3A_52 = tpu.memref_slice %arg2[%add3A_26] : memref<18432xi32, #tpu.memory_space<hbm>> -> memref<96xi32, #tpu.memory_space<hbm>>
      tpu.wait_dma2 semaphore(%run_scoped3A : memref<!tpu.dma_semaphore, #tpu.memory_space<semaphore_mem>>) src(%dma_wait3A_52 : memref<96xi32, #tpu.memory_space<hbm>>) dst(%arg5 : memref<96xi32, #tpu.memory_space<vmem>>)
      tpu.yield
    }) : () -> ()
    %dma_start3A_27 = arith.constant 0 : i32
    %dma_start3A_28 = arith.constant 0 : i32
    %dma_start3A_29 = tpu.memref_slice %arg3[%dma_start3A_27, %dma_start3A_28] : memref<8192x256xf32, #tpu.memory_space<hbm>> -> memref<8192x256xf32, #tpu.memory_space<hbm>>
    tpu.enqueue_indirect_dma source(%dma_start3A_29 : memref<8192x256xf32, #tpu.memory_space<hbm>>) target(%arg6 : memref<96x256xf32, #tpu.memory_space<vmem>>) offsets(%arg5 : memref<96xi32, #tpu.memory_space<vmem>>) semaphore(%arg7 : memref<!tpu.dma_semaphore, #tpu.memory_space<semaphore_mem>>)
    %dma_wait3A_30 = arith.constant 0 : i32
    %dma_wait3A_31 = arith.constant 0 : i32
    %dma_wait3A_32 = tpu.memref_slice %arg3[%dma_wait3A_30, %dma_wait3A_31] : memref<8192x256xf32, #tpu.memory_space<hbm>> -> memref<8192x256xf32, #tpu.memory_space<hbm>>
    tpu.wait_indirect_dma semaphore(%arg7 : memref<!tpu.dma_semaphore, #tpu.memory_space<semaphore_mem>>) src(%dma_wait3A_32 : memref<8192x256xf32, #tpu.memory_space<hbm>>) dst(%arg6 : memref<96x256xf32, #tpu.memory_space<vmem>>)
    "tpu.region"() ({
      %run_scoped3A = tpu.sem_alloc : memref<!tpu.dma_semaphore, #tpu.memory_space<semaphore_mem>>
      %dma_start3A_49 = arith.constant 0 : i32
      %dma_start3A_50 = tpu.memref_slice %arg4[%add3A_26, %dma_start3A_49] : memref<18432x256xf32, #tpu.memory_space<hbm>> -> memref<96x256xf32, #tpu.memory_space<hbm>>
      %dma_start3A_51 = arith.constant 0 : i32
      %dma_start3A_52 = tpu.memref_slice %arg4[%add3A_26, %dma_start3A_51] : memref<18432x256xf32, #tpu.memory_space<hbm>> -> memref<96x256xf32, #tpu.memory_space<hbm>>
      tpu.enqueue_dma source(%arg6 : memref<96x256xf32, #tpu.memory_space<vmem>>) target(%dma_start3A_52 : memref<96x256xf32, #tpu.memory_space<hbm>>) target_semaphore(%run_scoped3A : memref<!tpu.dma_semaphore, #tpu.memory_space<semaphore_mem>>)
      %dma_wait3A_53 = arith.constant 0 : i32
      %dma_wait3A_54 = tpu.memref_slice %arg4[%add3A_26, %dma_wait3A_53] : memref<18432x256xf32, #tpu.memory_space<hbm>> -> memref<96x256xf32, #tpu.memory_space<hbm>>
      %dma_wait3A_55 = arith.constant 0 : i32
      %dma_wait3A_56 = tpu.memref_slice %arg4[%add3A_26, %dma_wait3A_55] : memref<18432x256xf32, #tpu.memory_space<hbm>> -> memref<96x256xf32, #tpu.memory_space<hbm>>
      tpu.wait_dma2 semaphore(%run_scoped3A : memref<!tpu.dma_semaphore, #tpu.memory_space<semaphore_mem>>) src(%arg6 : memref<96x256xf32, #tpu.memory_space<vmem>>) dst(%dma_wait3A_56 : memref<96x256xf32, #tpu.memory_space<hbm>>)
      tpu.yield
    }) : () -> ()
    %add3A_33 = arith.constant 384 : i32
    %add3A_34 = arith.addi %mul3A_2, %add3A_33 : i32
    "tpu.region"() ({
      %run_scoped3A = tpu.sem_alloc : memref<!tpu.dma_semaphore, #tpu.memory_space<semaphore_mem>>
      %dma_start3A_49 = tpu.memref_slice %arg2[%add3A_34] : memref<18432xi32, #tpu.memory_space<hbm>> -> memref<96xi32, #tpu.memory_space<hbm>>
      %dma_start3A_50 = tpu.memref_slice %arg2[%add3A_34] : memref<18432xi32, #tpu.memory_space<hbm>> -> memref<96xi32, #tpu.memory_space<hbm>>
      tpu.enqueue_dma source(%dma_start3A_50 : memref<96xi32, #tpu.memory_space<hbm>>) target(%arg5 : memref<96xi32, #tpu.memory_space<vmem>>) target_semaphore(%run_scoped3A : memref<!tpu.dma_semaphore, #tpu.memory_space<semaphore_mem>>)
      %dma_wait3A_51 = tpu.memref_slice %arg2[%add3A_34] : memref<18432xi32, #tpu.memory_space<hbm>> -> memref<96xi32, #tpu.memory_space<hbm>>
      %dma_wait3A_52 = tpu.memref_slice %arg2[%add3A_34] : memref<18432xi32, #tpu.memory_space<hbm>> -> memref<96xi32, #tpu.memory_space<hbm>>
      tpu.wait_dma2 semaphore(%run_scoped3A : memref<!tpu.dma_semaphore, #tpu.memory_space<semaphore_mem>>) src(%dma_wait3A_52 : memref<96xi32, #tpu.memory_space<hbm>>) dst(%arg5 : memref<96xi32, #tpu.memory_space<vmem>>)
      tpu.yield
    }) : () -> ()
    %dma_start3A_35 = arith.constant 0 : i32
    %dma_start3A_36 = arith.constant 0 : i32
    %dma_start3A_37 = tpu.memref_slice %arg3[%dma_start3A_35, %dma_start3A_36] : memref<8192x256xf32, #tpu.memory_space<hbm>> -> memref<8192x256xf32, #tpu.memory_space<hbm>>
    tpu.enqueue_indirect_dma source(%dma_start3A_37 : memref<8192x256xf32, #tpu.memory_space<hbm>>) target(%arg6 : memref<96x256xf32, #tpu.memory_space<vmem>>) offsets(%arg5 : memref<96xi32, #tpu.memory_space<vmem>>) semaphore(%arg7 : memref<!tpu.dma_semaphore, #tpu.memory_space<semaphore_mem>>)
    %dma_wait3A_38 = arith.constant 0 : i32
    %dma_wait3A_39 = arith.constant 0 : i32
    %dma_wait3A_40 = tpu.memref_slice %arg3[%dma_wait3A_38, %dma_wait3A_39] : memref<8192x256xf32, #tpu.memory_space<hbm>> -> memref<8192x256xf32, #tpu.memory_space<hbm>>
    tpu.wait_indirect_dma semaphore(%arg7 : memref<!tpu.dma_semaphore, #tpu.memory_space<semaphore_mem>>) src(%dma_wait3A_40 : memref<8192x256xf32, #tpu.memory_space<hbm>>) dst(%arg6 : memref<96x256xf32, #tpu.memory_space<vmem>>)
    "tpu.region"() ({
      %run_scoped3A = tpu.sem_alloc : memref<!tpu.dma_semaphore, #tpu.memory_space<semaphore_mem>>
      %dma_start3A_49 = arith.constant 0 : i32
      %dma_start3A_50 = tpu.memref_slice %arg4[%add3A_34, %dma_start3A_49] : memref<18432x256xf32, #tpu.memory_space<hbm>> -> memref<96x256xf32, #tpu.memory_space<hbm>>
      %dma_start3A_51 = arith.constant 0 : i32
      %dma_start3A_52 = tpu.memref_slice %arg4[%add3A_34, %dma_start3A_51] : memref<18432x256xf32, #tpu.memory_space<hbm>> -> memref<96x256xf32, #tpu.memory_space<hbm>>
      tpu.enqueue_dma source(%arg6 : memref<96x256xf32, #tpu.memory_space<vmem>>) target(%dma_start3A_52 : memref<96x256xf32, #tpu.memory_space<hbm>>) target_semaphore(%run_scoped3A : memref<!tpu.dma_semaphore, #tpu.memory_space<semaphore_mem>>)
      %dma_wait3A_53 = arith.constant 0 : i32
      %dma_wait3A_54 = tpu.memref_slice %arg4[%add3A_34, %dma_wait3A_53] : memref<18432x256xf32, #tpu.memory_space<hbm>> -> memref<96x256xf32, #tpu.memory_space<hbm>>
      %dma_wait3A_55 = arith.constant 0 : i32
      %dma_wait3A_56 = tpu.memref_slice %arg4[%add3A_34, %dma_wait3A_55] : memref<18432x256xf32, #tpu.memory_space<hbm>> -> memref<96x256xf32, #tpu.memory_space<hbm>>
      tpu.wait_dma2 semaphore(%run_scoped3A : memref<!tpu.dma_semaphore, #tpu.memory_space<semaphore_mem>>) src(%arg6 : memref<96x256xf32, #tpu.memory_space<vmem>>) dst(%dma_wait3A_56 : memref<96x256xf32, #tpu.memory_space<hbm>>)
      tpu.yield
    }) : () -> ()
    %add3A_41 = arith.constant 480 : i32
    %add3A_42 = arith.addi %mul3A_2, %add3A_41 : i32
    "tpu.region"() ({
      %run_scoped3A = tpu.sem_alloc : memref<!tpu.dma_semaphore, #tpu.memory_space<semaphore_mem>>
      %dma_start3A_49 = tpu.memref_slice %arg2[%add3A_42] : memref<18432xi32, #tpu.memory_space<hbm>> -> memref<96xi32, #tpu.memory_space<hbm>>
      %dma_start3A_50 = tpu.memref_slice %arg2[%add3A_42] : memref<18432xi32, #tpu.memory_space<hbm>> -> memref<96xi32, #tpu.memory_space<hbm>>
      tpu.enqueue_dma source(%dma_start3A_50 : memref<96xi32, #tpu.memory_space<hbm>>) target(%arg5 : memref<96xi32, #tpu.memory_space<vmem>>) target_semaphore(%run_scoped3A : memref<!tpu.dma_semaphore, #tpu.memory_space<semaphore_mem>>)
      %dma_wait3A_51 = tpu.memref_slice %arg2[%add3A_42] : memref<18432xi32, #tpu.memory_space<hbm>> -> memref<96xi32, #tpu.memory_space<hbm>>
      %dma_wait3A_52 = tpu.memref_slice %arg2[%add3A_42] : memref<18432xi32, #tpu.memory_space<hbm>> -> memref<96xi32, #tpu.memory_space<hbm>>
      tpu.wait_dma2 semaphore(%run_scoped3A : memref<!tpu.dma_semaphore, #tpu.memory_space<semaphore_mem>>) src(%dma_wait3A_52 : memref<96xi32, #tpu.memory_space<hbm>>) dst(%arg5 : memref<96xi32, #tpu.memory_space<vmem>>)
      tpu.yield
    }) : () -> ()
    %dma_start3A_43 = arith.constant 0 : i32
    %dma_start3A_44 = arith.constant 0 : i32
    %dma_start3A_45 = tpu.memref_slice %arg3[%dma_start3A_43, %dma_start3A_44] : memref<8192x256xf32, #tpu.memory_space<hbm>> -> memref<8192x256xf32, #tpu.memory_space<hbm>>
    tpu.enqueue_indirect_dma source(%dma_start3A_45 : memref<8192x256xf32, #tpu.memory_space<hbm>>) target(%arg6 : memref<96x256xf32, #tpu.memory_space<vmem>>) offsets(%arg5 : memref<96xi32, #tpu.memory_space<vmem>>) semaphore(%arg7 : memref<!tpu.dma_semaphore, #tpu.memory_space<semaphore_mem>>)
    %dma_wait3A_46 = arith.constant 0 : i32
    %dma_wait3A_47 = arith.constant 0 : i32
    %dma_wait3A_48 = tpu.memref_slice %arg3[%dma_wait3A_46, %dma_wait3A_47] : memref<8192x256xf32, #tpu.memory_space<hbm>> -> memref<8192x256xf32, #tpu.memory_space<hbm>>
    tpu.wait_indirect_dma semaphore(%arg7 : memref<!tpu.dma_semaphore, #tpu.memory_space<semaphore_mem>>) src(%dma_wait3A_48 : memref<8192x256xf32, #tpu.memory_space<hbm>>) dst(%arg6 : memref<96x256xf32, #tpu.memory_space<vmem>>)
    "tpu.region"() ({
      %run_scoped3A = tpu.sem_alloc : memref<!tpu.dma_semaphore, #tpu.memory_space<semaphore_mem>>
      %dma_start3A_49 = arith.constant 0 : i32
      %dma_start3A_50 = tpu.memref_slice %arg4[%add3A_42, %dma_start3A_49] : memref<18432x256xf32, #tpu.memory_space<hbm>> -> memref<96x256xf32, #tpu.memory_space<hbm>>
      %dma_start3A_51 = arith.constant 0 : i32
      %dma_start3A_52 = tpu.memref_slice %arg4[%add3A_42, %dma_start3A_51] : memref<18432x256xf32, #tpu.memory_space<hbm>> -> memref<96x256xf32, #tpu.memory_space<hbm>>
      tpu.enqueue_dma source(%arg6 : memref<96x256xf32, #tpu.memory_space<vmem>>) target(%dma_start3A_52 : memref<96x256xf32, #tpu.memory_space<hbm>>) target_semaphore(%run_scoped3A : memref<!tpu.dma_semaphore, #tpu.memory_space<semaphore_mem>>)
      %dma_wait3A_53 = arith.constant 0 : i32
      %dma_wait3A_54 = tpu.memref_slice %arg4[%add3A_42, %dma_wait3A_53] : memref<18432x256xf32, #tpu.memory_space<hbm>> -> memref<96x256xf32, #tpu.memory_space<hbm>>
      %dma_wait3A_55 = arith.constant 0 : i32
      %dma_wait3A_56 = tpu.memref_slice %arg4[%add3A_42, %dma_wait3A_55] : memref<18432x256xf32, #tpu.memory_space<hbm>> -> memref<96x256xf32, #tpu.memory_space<hbm>>
      tpu.wait_dma2 semaphore(%run_scoped3A : memref<!tpu.dma_semaphore, #tpu.memory_space<semaphore_mem>>) src(%arg6 : memref<96x256xf32, #tpu.memory_space<vmem>>) dst(%dma_wait3A_56 : memref<96x256xf32, #tpu.memory_space<hbm>>)
      tpu.yield
    }) : () -> ()
    return
  }
}

module attributes {stable_mosaic.version = 14 : i64} {
  func.func @_argmin_body(%arg0: i32, %arg1: memref<2048x1xf32, #tpu.memory_space<vmem>>, %arg2: memref<1x8192xf32, #tpu.memory_space<vmem>>, %arg3: memref<2048x256xf32, #tpu.memory_space<vmem>>, %arg4: memref<8192x256xf32, #tpu.memory_space<vmem>>, %arg5: memref<2048x1xi32, #tpu.memory_space<vmem>>, %arg6: memref<1x1xf32, #tpu.memory_space<vmem>>) attributes {dimension_semantics = [#tpu.dimension_semantics<arbitrary>], iteration_bounds = array<i64: 9>, scalar_prefetch = 0 : i64, scratch_operands = 0 : i64, tpu.core_type = #tpu.core_type<tc>, window_params = [{transform_indices = @transform_0, window_bounds = array<i64: 2048, 1>}, {pipeline_mode = #tpu.pipeline_mode<synchronous>, transform_indices = @transform_1, window_bounds = array<i64: 1, 8192>}, {transform_indices = @transform_2, window_bounds = array<i64: 2048, 256>}, {pipeline_mode = #tpu.pipeline_mode<synchronous>, transform_indices = @transform_3, window_bounds = array<i64: 8192, 256>}, {transform_indices = @transform_4, window_bounds = array<i64: 2048, 1>}, {pipeline_mode = #tpu.pipeline_mode<synchronous>, transform_indices = @transform_5, window_bounds = array<i64: 1, 1>}]} {
    %get3A = arith.constant 0 : index
    %get3A_0 = arith.constant 0 : index
    %get3A_1 = vector.load %arg3[%get3A, %get3A_0] : memref<2048x256xf32, #tpu.memory_space<vmem>>, vector<2048x256xf32>
    %mul3A = arith.constant -2.000000e+00 : f32
    %mul3A_2 = vector.broadcast %mul3A : f32 to vector<2048x256xf32>
    %mul3A_3 = arith.mulf %mul3A_2, %get3A_1 : vector<2048x256xf32>
    %get3A_4 = arith.constant 0 : index
    %get3A_5 = arith.constant 0 : index
    %get3A_6 = vector.load %arg1[%get3A_4, %get3A_5] : memref<2048x1xf32, #tpu.memory_space<vmem>>, vector<2048x1xf32>
    %broadcast_in_dim3A = arith.constant 0x7F800000 : f32
    %broadcast_in_dim3A_7 = vector.broadcast %broadcast_in_dim3A : f32 to vector<2048x1xf32>
    %broadcast_in_dim3A_8 = arith.constant 0.000000e+00 : f32
    %broadcast_in_dim3A_9 = vector.broadcast %broadcast_in_dim3A_8 : f32 to vector<2048x1xf32>
    %iota3A = tpu.iota {dimensions = array<i32: 1>} : vector<2048x128xi32>
    %convert_element_type3A = arith.sitofp %iota3A : vector<2048x128xi32> to vector<2048x128xf32>
    %get3A_10 = arith.constant 0 : index
    %get3A_11 = arith.constant 0 : index
    %get3A_12 = vector.load %arg4[%get3A_10, %get3A_11] : memref<8192x256xf32, #tpu.memory_space<vmem>>, vector<4096x256xf32>
    %get3A_13 = arith.constant 0 : index
    %get3A_14 = arith.constant 0 : index
    %get3A_15 = vector.load %arg2[%get3A_13, %get3A_14] : memref<1x8192xf32, #tpu.memory_space<vmem>>, vector<1x4096xf32>
    %dot_general3A = arith.constant dense<0.000000e+00> : vector<2048x4096xf32>
    %dot_general3A_16 = tpu.matmul %mul3A_3, %get3A_12, %dot_general3A {dimension_numbers = #tpu.dot_dimension_numbers<[1], [1], [0], [0], [0, 0, 1, 0], [], []>, transpose_lhs_hint = false} : vector<2048x256xf32>, vector<4096x256xf32>, vector<2048x4096xf32> -> vector<2048x4096xf32>
    %slice3A = vector.extract_strided_slice %get3A_15 {offsets = [0, 0], sizes = [1, 128], strides = [1, 1]} : vector<1x4096xf32> to vector<1x128xf32>
    %add3A = vector.broadcast %get3A_6 : vector<2048x1xf32> to vector<2048x128xf32>
    %add3A_17 = vector.broadcast %slice3A : vector<1x128xf32> to vector<2048x128xf32>
    %add3A_18 = arith.addf %add3A, %add3A_17 : vector<2048x128xf32>
    %slice3A_19 = vector.extract_strided_slice %dot_general3A_16 {offsets = [0, 0], sizes = [2048, 128], strides = [1, 1]} : vector<2048x4096xf32> to vector<2048x128xf32>
    %add3A_20 = arith.addf %add3A_18, %slice3A_19 : vector<2048x128xf32>
    %broadcast_in_dim3A_21 = arith.constant 0.000000e+00 : f32
    %broadcast_in_dim3A_22 = vector.broadcast %broadcast_in_dim3A_21 : f32 to vector<2048x128xf32>
    %slice3A_23 = vector.extract_strided_slice %get3A_15 {offsets = [0, 128], sizes = [1, 128], strides = [1, 1]} : vector<1x4096xf32> to vector<1x128xf32>
    %add3A_24 = vector.broadcast %get3A_6 : vector<2048x1xf32> to vector<2048x128xf32>
    %add3A_25 = vector.broadcast %slice3A_23 : vector<1x128xf32> to vector<2048x128xf32>
    %add3A_26 = arith.addf %add3A_24, %add3A_25 : vector<2048x128xf32>
    %slice3A_27 = vector.extract_strided_slice %dot_general3A_16 {offsets = [0, 128], sizes = [2048, 128], strides = [1, 1]} : vector<2048x4096xf32> to vector<2048x128xf32>
    %add3A_28 = arith.addf %add3A_26, %slice3A_27 : vector<2048x128xf32>
    %lt3A = arith.cmpf olt, %add3A_28, %add3A_20 : vector<2048x128xf32>
    %jit3A = arith.constant 1.000000e+00 : f32
    %broadcast_in_dim3A_29 = vector.broadcast %jit3A : f32 to vector<2048x128xf32>
    %select_n3A = arith.select %lt3A, %broadcast_in_dim3A_29, %broadcast_in_dim3A_22 : vector<2048x128xi1>, vector<2048x128xf32>
    %min3A = arith.minimumf %add3A_20, %add3A_28 : vector<2048x128xf32>
    %slice3A_30 = vector.extract_strided_slice %get3A_15 {offsets = [0, 256], sizes = [1, 128], strides = [1, 1]} : vector<1x4096xf32> to vector<1x128xf32>
    %add3A_31 = vector.broadcast %get3A_6 : vector<2048x1xf32> to vector<2048x128xf32>
    %add3A_32 = vector.broadcast %slice3A_30 : vector<1x128xf32> to vector<2048x128xf32>
    %add3A_33 = arith.addf %add3A_31, %add3A_32 : vector<2048x128xf32>
    %slice3A_34 = vector.extract_strided_slice %dot_general3A_16 {offsets = [0, 256], sizes = [2048, 128], strides = [1, 1]} : vector<2048x4096xf32> to vector<2048x128xf32>
    %add3A_35 = arith.addf %add3A_33, %slice3A_34 : vector<2048x128xf32>
    %lt3A_36 = arith.cmpf olt, %add3A_35, %min3A : vector<2048x128xf32>
    %jit3A_37 = arith.constant 2.000000e+00 : f32
    %broadcast_in_dim3A_38 = vector.broadcast %jit3A_37 : f32 to vector<2048x128xf32>
    %select_n3A_39 = arith.select %lt3A_36, %broadcast_in_dim3A_38, %select_n3A : vector<2048x128xi1>, vector<2048x128xf32>
    %min3A_40 = arith.minimumf %min3A, %add3A_35 : vector<2048x128xf32>
    %slice3A_41 = vector.extract_strided_slice %get3A_15 {offsets = [0, 384], sizes = [1, 128], strides = [1, 1]} : vector<1x4096xf32> to vector<1x128xf32>
    %add3A_42 = vector.broadcast %get3A_6 : vector<2048x1xf32> to vector<2048x128xf32>
    %add3A_43 = vector.broadcast %slice3A_41 : vector<1x128xf32> to vector<2048x128xf32>
    %add3A_44 = arith.addf %add3A_42, %add3A_43 : vector<2048x128xf32>
    %slice3A_45 = vector.extract_strided_slice %dot_general3A_16 {offsets = [0, 384], sizes = [2048, 128], strides = [1, 1]} : vector<2048x4096xf32> to vector<2048x128xf32>
    %add3A_46 = arith.addf %add3A_44, %slice3A_45 : vector<2048x128xf32>
    %lt3A_47 = arith.cmpf olt, %add3A_46, %min3A_40 : vector<2048x128xf32>
    %jit3A_48 = arith.constant 3.000000e+00 : f32
    %broadcast_in_dim3A_49 = vector.broadcast %jit3A_48 : f32 to vector<2048x128xf32>
    %select_n3A_50 = arith.select %lt3A_47, %broadcast_in_dim3A_49, %select_n3A_39 : vector<2048x128xi1>, vector<2048x128xf32>
    %min3A_51 = arith.minimumf %min3A_40, %add3A_46 : vector<2048x128xf32>
    %slice3A_52 = vector.extract_strided_slice %get3A_15 {offsets = [0, 512], sizes = [1, 128], strides = [1, 1]} : vector<1x4096xf32> to vector<1x128xf32>
    %add3A_53 = vector.broadcast %get3A_6 : vector<2048x1xf32> to vector<2048x128xf32>
    %add3A_54 = vector.broadcast %slice3A_52 : vector<1x128xf32> to vector<2048x128xf32>
    %add3A_55 = arith.addf %add3A_53, %add3A_54 : vector<2048x128xf32>
    %slice3A_56 = vector.extract_strided_slice %dot_general3A_16 {offsets = [0, 512], sizes = [2048, 128], strides = [1, 1]} : vector<2048x4096xf32> to vector<2048x128xf32>
    %add3A_57 = arith.addf %add3A_55, %slice3A_56 : vector<2048x128xf32>
    %lt3A_58 = arith.cmpf olt, %add3A_57, %min3A_51 : vector<2048x128xf32>
    %jit3A_59 = arith.constant 4.000000e+00 : f32
    %broadcast_in_dim3A_60 = vector.broadcast %jit3A_59 : f32 to vector<2048x128xf32>
    %select_n3A_61 = arith.select %lt3A_58, %broadcast_in_dim3A_60, %select_n3A_50 : vector<2048x128xi1>, vector<2048x128xf32>
    %min3A_62 = arith.minimumf %min3A_51, %add3A_57 : vector<2048x128xf32>
    %slice3A_63 = vector.extract_strided_slice %get3A_15 {offsets = [0, 640], sizes = [1, 128], strides = [1, 1]} : vector<1x4096xf32> to vector<1x128xf32>
    %add3A_64 = vector.broadcast %get3A_6 : vector<2048x1xf32> to vector<2048x128xf32>
    %add3A_65 = vector.broadcast %slice3A_63 : vector<1x128xf32> to vector<2048x128xf32>
    %add3A_66 = arith.addf %add3A_64, %add3A_65 : vector<2048x128xf32>
    %slice3A_67 = vector.extract_strided_slice %dot_general3A_16 {offsets = [0, 640], sizes = [2048, 128], strides = [1, 1]} : vector<2048x4096xf32> to vector<2048x128xf32>
    %add3A_68 = arith.addf %add3A_66, %slice3A_67 : vector<2048x128xf32>
    %lt3A_69 = arith.cmpf olt, %add3A_68, %min3A_62 : vector<2048x128xf32>
    %jit3A_70 = arith.constant 5.000000e+00 : f32
    %broadcast_in_dim3A_71 = vector.broadcast %jit3A_70 : f32 to vector<2048x128xf32>
    %select_n3A_72 = arith.select %lt3A_69, %broadcast_in_dim3A_71, %select_n3A_61 : vector<2048x128xi1>, vector<2048x128xf32>
    %min3A_73 = arith.minimumf %min3A_62, %add3A_68 : vector<2048x128xf32>
    %slice3A_74 = vector.extract_strided_slice %get3A_15 {offsets = [0, 768], sizes = [1, 128], strides = [1, 1]} : vector<1x4096xf32> to vector<1x128xf32>
    %add3A_75 = vector.broadcast %get3A_6 : vector<2048x1xf32> to vector<2048x128xf32>
    %add3A_76 = vector.broadcast %slice3A_74 : vector<1x128xf32> to vector<2048x128xf32>
    %add3A_77 = arith.addf %add3A_75, %add3A_76 : vector<2048x128xf32>
    %slice3A_78 = vector.extract_strided_slice %dot_general3A_16 {offsets = [0, 768], sizes = [2048, 128], strides = [1, 1]} : vector<2048x4096xf32> to vector<2048x128xf32>
    %add3A_79 = arith.addf %add3A_77, %slice3A_78 : vector<2048x128xf32>
    %lt3A_80 = arith.cmpf olt, %add3A_79, %min3A_73 : vector<2048x128xf32>
    %jit3A_81 = arith.constant 6.000000e+00 : f32
    %broadcast_in_dim3A_82 = vector.broadcast %jit3A_81 : f32 to vector<2048x128xf32>
    %select_n3A_83 = arith.select %lt3A_80, %broadcast_in_dim3A_82, %select_n3A_72 : vector<2048x128xi1>, vector<2048x128xf32>
    %min3A_84 = arith.minimumf %min3A_73, %add3A_79 : vector<2048x128xf32>
    %slice3A_85 = vector.extract_strided_slice %get3A_15 {offsets = [0, 896], sizes = [1, 128], strides = [1, 1]} : vector<1x4096xf32> to vector<1x128xf32>
    %add3A_86 = vector.broadcast %get3A_6 : vector<2048x1xf32> to vector<2048x128xf32>
    %add3A_87 = vector.broadcast %slice3A_85 : vector<1x128xf32> to vector<2048x128xf32>
    %add3A_88 = arith.addf %add3A_86, %add3A_87 : vector<2048x128xf32>
    %slice3A_89 = vector.extract_strided_slice %dot_general3A_16 {offsets = [0, 896], sizes = [2048, 128], strides = [1, 1]} : vector<2048x4096xf32> to vector<2048x128xf32>
    %add3A_90 = arith.addf %add3A_88, %slice3A_89 : vector<2048x128xf32>
    %lt3A_91 = arith.cmpf olt, %add3A_90, %min3A_84 : vector<2048x128xf32>
    %jit3A_92 = arith.constant 7.000000e+00 : f32
    %broadcast_in_dim3A_93 = vector.broadcast %jit3A_92 : f32 to vector<2048x128xf32>
    %select_n3A_94 = arith.select %lt3A_91, %broadcast_in_dim3A_93, %select_n3A_83 : vector<2048x128xi1>, vector<2048x128xf32>
    %min3A_95 = arith.minimumf %min3A_84, %add3A_90 : vector<2048x128xf32>
    %slice3A_96 = vector.extract_strided_slice %get3A_15 {offsets = [0, 1024], sizes = [1, 128], strides = [1, 1]} : vector<1x4096xf32> to vector<1x128xf32>
    %add3A_97 = vector.broadcast %get3A_6 : vector<2048x1xf32> to vector<2048x128xf32>
    %add3A_98 = vector.broadcast %slice3A_96 : vector<1x128xf32> to vector<2048x128xf32>
    %add3A_99 = arith.addf %add3A_97, %add3A_98 : vector<2048x128xf32>
    %slice3A_100 = vector.extract_strided_slice %dot_general3A_16 {offsets = [0, 1024], sizes = [2048, 128], strides = [1, 1]} : vector<2048x4096xf32> to vector<2048x128xf32>
    %add3A_101 = arith.addf %add3A_99, %slice3A_100 : vector<2048x128xf32>
    %lt3A_102 = arith.cmpf olt, %add3A_101, %min3A_95 : vector<2048x128xf32>
    %jit3A_103 = arith.constant 8.000000e+00 : f32
    %broadcast_in_dim3A_104 = vector.broadcast %jit3A_103 : f32 to vector<2048x128xf32>
    %select_n3A_105 = arith.select %lt3A_102, %broadcast_in_dim3A_104, %select_n3A_94 : vector<2048x128xi1>, vector<2048x128xf32>
    %min3A_106 = arith.minimumf %min3A_95, %add3A_101 : vector<2048x128xf32>
    %slice3A_107 = vector.extract_strided_slice %get3A_15 {offsets = [0, 1152], sizes = [1, 128], strides = [1, 1]} : vector<1x4096xf32> to vector<1x128xf32>
    %add3A_108 = vector.broadcast %get3A_6 : vector<2048x1xf32> to vector<2048x128xf32>
    %add3A_109 = vector.broadcast %slice3A_107 : vector<1x128xf32> to vector<2048x128xf32>
    %add3A_110 = arith.addf %add3A_108, %add3A_109 : vector<2048x128xf32>
    %slice3A_111 = vector.extract_strided_slice %dot_general3A_16 {offsets = [0, 1152], sizes = [2048, 128], strides = [1, 1]} : vector<2048x4096xf32> to vector<2048x128xf32>
    %add3A_112 = arith.addf %add3A_110, %slice3A_111 : vector<2048x128xf32>
    %lt3A_113 = arith.cmpf olt, %add3A_112, %min3A_106 : vector<2048x128xf32>
    %jit3A_114 = arith.constant 9.000000e+00 : f32
    %broadcast_in_dim3A_115 = vector.broadcast %jit3A_114 : f32 to vector<2048x128xf32>
    %select_n3A_116 = arith.select %lt3A_113, %broadcast_in_dim3A_115, %select_n3A_105 : vector<2048x128xi1>, vector<2048x128xf32>
    %min3A_117 = arith.minimumf %min3A_106, %add3A_112 : vector<2048x128xf32>
    %slice3A_118 = vector.extract_strided_slice %get3A_15 {offsets = [0, 1280], sizes = [1, 128], strides = [1, 1]} : vector<1x4096xf32> to vector<1x128xf32>
    %add3A_119 = vector.broadcast %get3A_6 : vector<2048x1xf32> to vector<2048x128xf32>
    %add3A_120 = vector.broadcast %slice3A_118 : vector<1x128xf32> to vector<2048x128xf32>
    %add3A_121 = arith.addf %add3A_119, %add3A_120 : vector<2048x128xf32>
    %slice3A_122 = vector.extract_strided_slice %dot_general3A_16 {offsets = [0, 1280], sizes = [2048, 128], strides = [1, 1]} : vector<2048x4096xf32> to vector<2048x128xf32>
    %add3A_123 = arith.addf %add3A_121, %slice3A_122 : vector<2048x128xf32>
    %lt3A_124 = arith.cmpf olt, %add3A_123, %min3A_117 : vector<2048x128xf32>
    %jit3A_125 = arith.constant 1.000000e+01 : f32
    %broadcast_in_dim3A_126 = vector.broadcast %jit3A_125 : f32 to vector<2048x128xf32>
    %select_n3A_127 = arith.select %lt3A_124, %broadcast_in_dim3A_126, %select_n3A_116 : vector<2048x128xi1>, vector<2048x128xf32>
    %min3A_128 = arith.minimumf %min3A_117, %add3A_123 : vector<2048x128xf32>
    %slice3A_129 = vector.extract_strided_slice %get3A_15 {offsets = [0, 1408], sizes = [1, 128], strides = [1, 1]} : vector<1x4096xf32> to vector<1x128xf32>
    %add3A_130 = vector.broadcast %get3A_6 : vector<2048x1xf32> to vector<2048x128xf32>
    %add3A_131 = vector.broadcast %slice3A_129 : vector<1x128xf32> to vector<2048x128xf32>
    %add3A_132 = arith.addf %add3A_130, %add3A_131 : vector<2048x128xf32>
    %slice3A_133 = vector.extract_strided_slice %dot_general3A_16 {offsets = [0, 1408], sizes = [2048, 128], strides = [1, 1]} : vector<2048x4096xf32> to vector<2048x128xf32>
    %add3A_134 = arith.addf %add3A_132, %slice3A_133 : vector<2048x128xf32>
    %lt3A_135 = arith.cmpf olt, %add3A_134, %min3A_128 : vector<2048x128xf32>
    %jit3A_136 = arith.constant 1.100000e+01 : f32
    %broadcast_in_dim3A_137 = vector.broadcast %jit3A_136 : f32 to vector<2048x128xf32>
    %select_n3A_138 = arith.select %lt3A_135, %broadcast_in_dim3A_137, %select_n3A_127 : vector<2048x128xi1>, vector<2048x128xf32>
    %min3A_139 = arith.minimumf %min3A_128, %add3A_134 : vector<2048x128xf32>
    %slice3A_140 = vector.extract_strided_slice %get3A_15 {offsets = [0, 1536], sizes = [1, 128], strides = [1, 1]} : vector<1x4096xf32> to vector<1x128xf32>
    %add3A_141 = vector.broadcast %get3A_6 : vector<2048x1xf32> to vector<2048x128xf32>
    %add3A_142 = vector.broadcast %slice3A_140 : vector<1x128xf32> to vector<2048x128xf32>
    %add3A_143 = arith.addf %add3A_141, %add3A_142 : vector<2048x128xf32>
    %slice3A_144 = vector.extract_strided_slice %dot_general3A_16 {offsets = [0, 1536], sizes = [2048, 128], strides = [1, 1]} : vector<2048x4096xf32> to vector<2048x128xf32>
    %add3A_145 = arith.addf %add3A_143, %slice3A_144 : vector<2048x128xf32>
    %lt3A_146 = arith.cmpf olt, %add3A_145, %min3A_139 : vector<2048x128xf32>
    %jit3A_147 = arith.constant 1.200000e+01 : f32
    %broadcast_in_dim3A_148 = vector.broadcast %jit3A_147 : f32 to vector<2048x128xf32>
    %select_n3A_149 = arith.select %lt3A_146, %broadcast_in_dim3A_148, %select_n3A_138 : vector<2048x128xi1>, vector<2048x128xf32>
    %min3A_150 = arith.minimumf %min3A_139, %add3A_145 : vector<2048x128xf32>
    %slice3A_151 = vector.extract_strided_slice %get3A_15 {offsets = [0, 1664], sizes = [1, 128], strides = [1, 1]} : vector<1x4096xf32> to vector<1x128xf32>
    %add3A_152 = vector.broadcast %get3A_6 : vector<2048x1xf32> to vector<2048x128xf32>
    %add3A_153 = vector.broadcast %slice3A_151 : vector<1x128xf32> to vector<2048x128xf32>
    %add3A_154 = arith.addf %add3A_152, %add3A_153 : vector<2048x128xf32>
    %slice3A_155 = vector.extract_strided_slice %dot_general3A_16 {offsets = [0, 1664], sizes = [2048, 128], strides = [1, 1]} : vector<2048x4096xf32> to vector<2048x128xf32>
    %add3A_156 = arith.addf %add3A_154, %slice3A_155 : vector<2048x128xf32>
    %lt3A_157 = arith.cmpf olt, %add3A_156, %min3A_150 : vector<2048x128xf32>
    %jit3A_158 = arith.constant 1.300000e+01 : f32
    %broadcast_in_dim3A_159 = vector.broadcast %jit3A_158 : f32 to vector<2048x128xf32>
    %select_n3A_160 = arith.select %lt3A_157, %broadcast_in_dim3A_159, %select_n3A_149 : vector<2048x128xi1>, vector<2048x128xf32>
    %min3A_161 = arith.minimumf %min3A_150, %add3A_156 : vector<2048x128xf32>
    %slice3A_162 = vector.extract_strided_slice %get3A_15 {offsets = [0, 1792], sizes = [1, 128], strides = [1, 1]} : vector<1x4096xf32> to vector<1x128xf32>
    %add3A_163 = vector.broadcast %get3A_6 : vector<2048x1xf32> to vector<2048x128xf32>
    %add3A_164 = vector.broadcast %slice3A_162 : vector<1x128xf32> to vector<2048x128xf32>
    %add3A_165 = arith.addf %add3A_163, %add3A_164 : vector<2048x128xf32>
    %slice3A_166 = vector.extract_strided_slice %dot_general3A_16 {offsets = [0, 1792], sizes = [2048, 128], strides = [1, 1]} : vector<2048x4096xf32> to vector<2048x128xf32>
    %add3A_167 = arith.addf %add3A_165, %slice3A_166 : vector<2048x128xf32>
    %lt3A_168 = arith.cmpf olt, %add3A_167, %min3A_161 : vector<2048x128xf32>
    %jit3A_169 = arith.constant 1.400000e+01 : f32
    %broadcast_in_dim3A_170 = vector.broadcast %jit3A_169 : f32 to vector<2048x128xf32>
    %select_n3A_171 = arith.select %lt3A_168, %broadcast_in_dim3A_170, %select_n3A_160 : vector<2048x128xi1>, vector<2048x128xf32>
    %min3A_172 = arith.minimumf %min3A_161, %add3A_167 : vector<2048x128xf32>
    %slice3A_173 = vector.extract_strided_slice %get3A_15 {offsets = [0, 1920], sizes = [1, 128], strides = [1, 1]} : vector<1x4096xf32> to vector<1x128xf32>
    %add3A_174 = vector.broadcast %get3A_6 : vector<2048x1xf32> to vector<2048x128xf32>
    %add3A_175 = vector.broadcast %slice3A_173 : vector<1x128xf32> to vector<2048x128xf32>
    %add3A_176 = arith.addf %add3A_174, %add3A_175 : vector<2048x128xf32>
    %slice3A_177 = vector.extract_strided_slice %dot_general3A_16 {offsets = [0, 1920], sizes = [2048, 128], strides = [1, 1]} : vector<2048x4096xf32> to vector<2048x128xf32>
    %add3A_178 = arith.addf %add3A_176, %slice3A_177 : vector<2048x128xf32>
    %lt3A_179 = arith.cmpf olt, %add3A_178, %min3A_172 : vector<2048x128xf32>
    %jit3A_180 = arith.constant 1.500000e+01 : f32
    %broadcast_in_dim3A_181 = vector.broadcast %jit3A_180 : f32 to vector<2048x128xf32>
    %select_n3A_182 = arith.select %lt3A_179, %broadcast_in_dim3A_181, %select_n3A_171 : vector<2048x128xi1>, vector<2048x128xf32>
    %min3A_183 = arith.minimumf %min3A_172, %add3A_178 : vector<2048x128xf32>
    %slice3A_184 = vector.extract_strided_slice %get3A_15 {offsets = [0, 2048], sizes = [1, 128], strides = [1, 1]} : vector<1x4096xf32> to vector<1x128xf32>
    %add3A_185 = vector.broadcast %get3A_6 : vector<2048x1xf32> to vector<2048x128xf32>
    %add3A_186 = vector.broadcast %slice3A_184 : vector<1x128xf32> to vector<2048x128xf32>
    %add3A_187 = arith.addf %add3A_185, %add3A_186 : vector<2048x128xf32>
    %slice3A_188 = vector.extract_strided_slice %dot_general3A_16 {offsets = [0, 2048], sizes = [2048, 128], strides = [1, 1]} : vector<2048x4096xf32> to vector<2048x128xf32>
    %add3A_189 = arith.addf %add3A_187, %slice3A_188 : vector<2048x128xf32>
    %lt3A_190 = arith.cmpf olt, %add3A_189, %min3A_183 : vector<2048x128xf32>
    %jit3A_191 = arith.constant 1.600000e+01 : f32
    %broadcast_in_dim3A_192 = vector.broadcast %jit3A_191 : f32 to vector<2048x128xf32>
    %select_n3A_193 = arith.select %lt3A_190, %broadcast_in_dim3A_192, %select_n3A_182 : vector<2048x128xi1>, vector<2048x128xf32>
    %min3A_194 = arith.minimumf %min3A_183, %add3A_189 : vector<2048x128xf32>
    %slice3A_195 = vector.extract_strided_slice %get3A_15 {offsets = [0, 2176], sizes = [1, 128], strides = [1, 1]} : vector<1x4096xf32> to vector<1x128xf32>
    %add3A_196 = vector.broadcast %get3A_6 : vector<2048x1xf32> to vector<2048x128xf32>
    %add3A_197 = vector.broadcast %slice3A_195 : vector<1x128xf32> to vector<2048x128xf32>
    %add3A_198 = arith.addf %add3A_196, %add3A_197 : vector<2048x128xf32>
    %slice3A_199 = vector.extract_strided_slice %dot_general3A_16 {offsets = [0, 2176], sizes = [2048, 128], strides = [1, 1]} : vector<2048x4096xf32> to vector<2048x128xf32>
    %add3A_200 = arith.addf %add3A_198, %slice3A_199 : vector<2048x128xf32>
    %lt3A_201 = arith.cmpf olt, %add3A_200, %min3A_194 : vector<2048x128xf32>
    %jit3A_202 = arith.constant 1.700000e+01 : f32
    %broadcast_in_dim3A_203 = vector.broadcast %jit3A_202 : f32 to vector<2048x128xf32>
    %select_n3A_204 = arith.select %lt3A_201, %broadcast_in_dim3A_203, %select_n3A_193 : vector<2048x128xi1>, vector<2048x128xf32>
    %min3A_205 = arith.minimumf %min3A_194, %add3A_200 : vector<2048x128xf32>
    %slice3A_206 = vector.extract_strided_slice %get3A_15 {offsets = [0, 2304], sizes = [1, 128], strides = [1, 1]} : vector<1x4096xf32> to vector<1x128xf32>
    %add3A_207 = vector.broadcast %get3A_6 : vector<2048x1xf32> to vector<2048x128xf32>
    %add3A_208 = vector.broadcast %slice3A_206 : vector<1x128xf32> to vector<2048x128xf32>
    %add3A_209 = arith.addf %add3A_207, %add3A_208 : vector<2048x128xf32>
    %slice3A_210 = vector.extract_strided_slice %dot_general3A_16 {offsets = [0, 2304], sizes = [2048, 128], strides = [1, 1]} : vector<2048x4096xf32> to vector<2048x128xf32>
    %add3A_211 = arith.addf %add3A_209, %slice3A_210 : vector<2048x128xf32>
    %lt3A_212 = arith.cmpf olt, %add3A_211, %min3A_205 : vector<2048x128xf32>
    %jit3A_213 = arith.constant 1.800000e+01 : f32
    %broadcast_in_dim3A_214 = vector.broadcast %jit3A_213 : f32 to vector<2048x128xf32>
    %select_n3A_215 = arith.select %lt3A_212, %broadcast_in_dim3A_214, %select_n3A_204 : vector<2048x128xi1>, vector<2048x128xf32>
    %min3A_216 = arith.minimumf %min3A_205, %add3A_211 : vector<2048x128xf32>
    %slice3A_217 = vector.extract_strided_slice %get3A_15 {offsets = [0, 2432], sizes = [1, 128], strides = [1, 1]} : vector<1x4096xf32> to vector<1x128xf32>
    %add3A_218 = vector.broadcast %get3A_6 : vector<2048x1xf32> to vector<2048x128xf32>
    %add3A_219 = vector.broadcast %slice3A_217 : vector<1x128xf32> to vector<2048x128xf32>
    %add3A_220 = arith.addf %add3A_218, %add3A_219 : vector<2048x128xf32>
    %slice3A_221 = vector.extract_strided_slice %dot_general3A_16 {offsets = [0, 2432], sizes = [2048, 128], strides = [1, 1]} : vector<2048x4096xf32> to vector<2048x128xf32>
    %add3A_222 = arith.addf %add3A_220, %slice3A_221 : vector<2048x128xf32>
    %lt3A_223 = arith.cmpf olt, %add3A_222, %min3A_216 : vector<2048x128xf32>
    %jit3A_224 = arith.constant 1.900000e+01 : f32
    %broadcast_in_dim3A_225 = vector.broadcast %jit3A_224 : f32 to vector<2048x128xf32>
    %select_n3A_226 = arith.select %lt3A_223, %broadcast_in_dim3A_225, %select_n3A_215 : vector<2048x128xi1>, vector<2048x128xf32>
    %min3A_227 = arith.minimumf %min3A_216, %add3A_222 : vector<2048x128xf32>
    %slice3A_228 = vector.extract_strided_slice %get3A_15 {offsets = [0, 2560], sizes = [1, 128], strides = [1, 1]} : vector<1x4096xf32> to vector<1x128xf32>
    %add3A_229 = vector.broadcast %get3A_6 : vector<2048x1xf32> to vector<2048x128xf32>
    %add3A_230 = vector.broadcast %slice3A_228 : vector<1x128xf32> to vector<2048x128xf32>
    %add3A_231 = arith.addf %add3A_229, %add3A_230 : vector<2048x128xf32>
    %slice3A_232 = vector.extract_strided_slice %dot_general3A_16 {offsets = [0, 2560], sizes = [2048, 128], strides = [1, 1]} : vector<2048x4096xf32> to vector<2048x128xf32>
    %add3A_233 = arith.addf %add3A_231, %slice3A_232 : vector<2048x128xf32>
    %lt3A_234 = arith.cmpf olt, %add3A_233, %min3A_227 : vector<2048x128xf32>
    %jit3A_235 = arith.constant 2.000000e+01 : f32
    %broadcast_in_dim3A_236 = vector.broadcast %jit3A_235 : f32 to vector<2048x128xf32>
    %select_n3A_237 = arith.select %lt3A_234, %broadcast_in_dim3A_236, %select_n3A_226 : vector<2048x128xi1>, vector<2048x128xf32>
    %min3A_238 = arith.minimumf %min3A_227, %add3A_233 : vector<2048x128xf32>
    %slice3A_239 = vector.extract_strided_slice %get3A_15 {offsets = [0, 2688], sizes = [1, 128], strides = [1, 1]} : vector<1x4096xf32> to vector<1x128xf32>
    %add3A_240 = vector.broadcast %get3A_6 : vector<2048x1xf32> to vector<2048x128xf32>
    %add3A_241 = vector.broadcast %slice3A_239 : vector<1x128xf32> to vector<2048x128xf32>
    %add3A_242 = arith.addf %add3A_240, %add3A_241 : vector<2048x128xf32>
    %slice3A_243 = vector.extract_strided_slice %dot_general3A_16 {offsets = [0, 2688], sizes = [2048, 128], strides = [1, 1]} : vector<2048x4096xf32> to vector<2048x128xf32>
    %add3A_244 = arith.addf %add3A_242, %slice3A_243 : vector<2048x128xf32>
    %lt3A_245 = arith.cmpf olt, %add3A_244, %min3A_238 : vector<2048x128xf32>
    %jit3A_246 = arith.constant 2.100000e+01 : f32
    %broadcast_in_dim3A_247 = vector.broadcast %jit3A_246 : f32 to vector<2048x128xf32>
    %select_n3A_248 = arith.select %lt3A_245, %broadcast_in_dim3A_247, %select_n3A_237 : vector<2048x128xi1>, vector<2048x128xf32>
    %min3A_249 = arith.minimumf %min3A_238, %add3A_244 : vector<2048x128xf32>
    %slice3A_250 = vector.extract_strided_slice %get3A_15 {offsets = [0, 2816], sizes = [1, 128], strides = [1, 1]} : vector<1x4096xf32> to vector<1x128xf32>
    %add3A_251 = vector.broadcast %get3A_6 : vector<2048x1xf32> to vector<2048x128xf32>
    %add3A_252 = vector.broadcast %slice3A_250 : vector<1x128xf32> to vector<2048x128xf32>
    %add3A_253 = arith.addf %add3A_251, %add3A_252 : vector<2048x128xf32>
    %slice3A_254 = vector.extract_strided_slice %dot_general3A_16 {offsets = [0, 2816], sizes = [2048, 128], strides = [1, 1]} : vector<2048x4096xf32> to vector<2048x128xf32>
    %add3A_255 = arith.addf %add3A_253, %slice3A_254 : vector<2048x128xf32>
    %lt3A_256 = arith.cmpf olt, %add3A_255, %min3A_249 : vector<2048x128xf32>
    %jit3A_257 = arith.constant 2.200000e+01 : f32
    %broadcast_in_dim3A_258 = vector.broadcast %jit3A_257 : f32 to vector<2048x128xf32>
    %select_n3A_259 = arith.select %lt3A_256, %broadcast_in_dim3A_258, %select_n3A_248 : vector<2048x128xi1>, vector<2048x128xf32>
    %min3A_260 = arith.minimumf %min3A_249, %add3A_255 : vector<2048x128xf32>
    %slice3A_261 = vector.extract_strided_slice %get3A_15 {offsets = [0, 2944], sizes = [1, 128], strides = [1, 1]} : vector<1x4096xf32> to vector<1x128xf32>
    %add3A_262 = vector.broadcast %get3A_6 : vector<2048x1xf32> to vector<2048x128xf32>
    %add3A_263 = vector.broadcast %slice3A_261 : vector<1x128xf32> to vector<2048x128xf32>
    %add3A_264 = arith.addf %add3A_262, %add3A_263 : vector<2048x128xf32>
    %slice3A_265 = vector.extract_strided_slice %dot_general3A_16 {offsets = [0, 2944], sizes = [2048, 128], strides = [1, 1]} : vector<2048x4096xf32> to vector<2048x128xf32>
    %add3A_266 = arith.addf %add3A_264, %slice3A_265 : vector<2048x128xf32>
    %lt3A_267 = arith.cmpf olt, %add3A_266, %min3A_260 : vector<2048x128xf32>
    %jit3A_268 = arith.constant 2.300000e+01 : f32
    %broadcast_in_dim3A_269 = vector.broadcast %jit3A_268 : f32 to vector<2048x128xf32>
    %select_n3A_270 = arith.select %lt3A_267, %broadcast_in_dim3A_269, %select_n3A_259 : vector<2048x128xi1>, vector<2048x128xf32>
    %min3A_271 = arith.minimumf %min3A_260, %add3A_266 : vector<2048x128xf32>
    %slice3A_272 = vector.extract_strided_slice %get3A_15 {offsets = [0, 3072], sizes = [1, 128], strides = [1, 1]} : vector<1x4096xf32> to vector<1x128xf32>
    %add3A_273 = vector.broadcast %get3A_6 : vector<2048x1xf32> to vector<2048x128xf32>
    %add3A_274 = vector.broadcast %slice3A_272 : vector<1x128xf32> to vector<2048x128xf32>
    %add3A_275 = arith.addf %add3A_273, %add3A_274 : vector<2048x128xf32>
    %slice3A_276 = vector.extract_strided_slice %dot_general3A_16 {offsets = [0, 3072], sizes = [2048, 128], strides = [1, 1]} : vector<2048x4096xf32> to vector<2048x128xf32>
    %add3A_277 = arith.addf %add3A_275, %slice3A_276 : vector<2048x128xf32>
    %lt3A_278 = arith.cmpf olt, %add3A_277, %min3A_271 : vector<2048x128xf32>
    %jit3A_279 = arith.constant 2.400000e+01 : f32
    %broadcast_in_dim3A_280 = vector.broadcast %jit3A_279 : f32 to vector<2048x128xf32>
    %select_n3A_281 = arith.select %lt3A_278, %broadcast_in_dim3A_280, %select_n3A_270 : vector<2048x128xi1>, vector<2048x128xf32>
    %min3A_282 = arith.minimumf %min3A_271, %add3A_277 : vector<2048x128xf32>
    %slice3A_283 = vector.extract_strided_slice %get3A_15 {offsets = [0, 3200], sizes = [1, 128], strides = [1, 1]} : vector<1x4096xf32> to vector<1x128xf32>
    %add3A_284 = vector.broadcast %get3A_6 : vector<2048x1xf32> to vector<2048x128xf32>
    %add3A_285 = vector.broadcast %slice3A_283 : vector<1x128xf32> to vector<2048x128xf32>
    %add3A_286 = arith.addf %add3A_284, %add3A_285 : vector<2048x128xf32>
    %slice3A_287 = vector.extract_strided_slice %dot_general3A_16 {offsets = [0, 3200], sizes = [2048, 128], strides = [1, 1]} : vector<2048x4096xf32> to vector<2048x128xf32>
    %add3A_288 = arith.addf %add3A_286, %slice3A_287 : vector<2048x128xf32>
    %lt3A_289 = arith.cmpf olt, %add3A_288, %min3A_282 : vector<2048x128xf32>
    %jit3A_290 = arith.constant 2.500000e+01 : f32
    %broadcast_in_dim3A_291 = vector.broadcast %jit3A_290 : f32 to vector<2048x128xf32>
    %select_n3A_292 = arith.select %lt3A_289, %broadcast_in_dim3A_291, %select_n3A_281 : vector<2048x128xi1>, vector<2048x128xf32>
    %min3A_293 = arith.minimumf %min3A_282, %add3A_288 : vector<2048x128xf32>
    %slice3A_294 = vector.extract_strided_slice %get3A_15 {offsets = [0, 3328], sizes = [1, 128], strides = [1, 1]} : vector<1x4096xf32> to vector<1x128xf32>
    %add3A_295 = vector.broadcast %get3A_6 : vector<2048x1xf32> to vector<2048x128xf32>
    %add3A_296 = vector.broadcast %slice3A_294 : vector<1x128xf32> to vector<2048x128xf32>
    %add3A_297 = arith.addf %add3A_295, %add3A_296 : vector<2048x128xf32>
    %slice3A_298 = vector.extract_strided_slice %dot_general3A_16 {offsets = [0, 3328], sizes = [2048, 128], strides = [1, 1]} : vector<2048x4096xf32> to vector<2048x128xf32>
    %add3A_299 = arith.addf %add3A_297, %slice3A_298 : vector<2048x128xf32>
    %lt3A_300 = arith.cmpf olt, %add3A_299, %min3A_293 : vector<2048x128xf32>
    %jit3A_301 = arith.constant 2.600000e+01 : f32
    %broadcast_in_dim3A_302 = vector.broadcast %jit3A_301 : f32 to vector<2048x128xf32>
    %select_n3A_303 = arith.select %lt3A_300, %broadcast_in_dim3A_302, %select_n3A_292 : vector<2048x128xi1>, vector<2048x128xf32>
    %min3A_304 = arith.minimumf %min3A_293, %add3A_299 : vector<2048x128xf32>
    %slice3A_305 = vector.extract_strided_slice %get3A_15 {offsets = [0, 3456], sizes = [1, 128], strides = [1, 1]} : vector<1x4096xf32> to vector<1x128xf32>
    %add3A_306 = vector.broadcast %get3A_6 : vector<2048x1xf32> to vector<2048x128xf32>
    %add3A_307 = vector.broadcast %slice3A_305 : vector<1x128xf32> to vector<2048x128xf32>
    %add3A_308 = arith.addf %add3A_306, %add3A_307 : vector<2048x128xf32>
    %slice3A_309 = vector.extract_strided_slice %dot_general3A_16 {offsets = [0, 3456], sizes = [2048, 128], strides = [1, 1]} : vector<2048x4096xf32> to vector<2048x128xf32>
    %add3A_310 = arith.addf %add3A_308, %slice3A_309 : vector<2048x128xf32>
    %lt3A_311 = arith.cmpf olt, %add3A_310, %min3A_304 : vector<2048x128xf32>
    %jit3A_312 = arith.constant 2.700000e+01 : f32
    %broadcast_in_dim3A_313 = vector.broadcast %jit3A_312 : f32 to vector<2048x128xf32>
    %select_n3A_314 = arith.select %lt3A_311, %broadcast_in_dim3A_313, %select_n3A_303 : vector<2048x128xi1>, vector<2048x128xf32>
    %min3A_315 = arith.minimumf %min3A_304, %add3A_310 : vector<2048x128xf32>
    %slice3A_316 = vector.extract_strided_slice %get3A_15 {offsets = [0, 3584], sizes = [1, 128], strides = [1, 1]} : vector<1x4096xf32> to vector<1x128xf32>
    %add3A_317 = vector.broadcast %get3A_6 : vector<2048x1xf32> to vector<2048x128xf32>
    %add3A_318 = vector.broadcast %slice3A_316 : vector<1x128xf32> to vector<2048x128xf32>
    %add3A_319 = arith.addf %add3A_317, %add3A_318 : vector<2048x128xf32>
    %slice3A_320 = vector.extract_strided_slice %dot_general3A_16 {offsets = [0, 3584], sizes = [2048, 128], strides = [1, 1]} : vector<2048x4096xf32> to vector<2048x128xf32>
    %add3A_321 = arith.addf %add3A_319, %slice3A_320 : vector<2048x128xf32>
    %lt3A_322 = arith.cmpf olt, %add3A_321, %min3A_315 : vector<2048x128xf32>
    %jit3A_323 = arith.constant 2.800000e+01 : f32
    %broadcast_in_dim3A_324 = vector.broadcast %jit3A_323 : f32 to vector<2048x128xf32>
    %select_n3A_325 = arith.select %lt3A_322, %broadcast_in_dim3A_324, %select_n3A_314 : vector<2048x128xi1>, vector<2048x128xf32>
    %min3A_326 = arith.minimumf %min3A_315, %add3A_321 : vector<2048x128xf32>
    %slice3A_327 = vector.extract_strided_slice %get3A_15 {offsets = [0, 3712], sizes = [1, 128], strides = [1, 1]} : vector<1x4096xf32> to vector<1x128xf32>
    %add3A_328 = vector.broadcast %get3A_6 : vector<2048x1xf32> to vector<2048x128xf32>
    %add3A_329 = vector.broadcast %slice3A_327 : vector<1x128xf32> to vector<2048x128xf32>
    %add3A_330 = arith.addf %add3A_328, %add3A_329 : vector<2048x128xf32>
    %slice3A_331 = vector.extract_strided_slice %dot_general3A_16 {offsets = [0, 3712], sizes = [2048, 128], strides = [1, 1]} : vector<2048x4096xf32> to vector<2048x128xf32>
    %add3A_332 = arith.addf %add3A_330, %slice3A_331 : vector<2048x128xf32>
    %lt3A_333 = arith.cmpf olt, %add3A_332, %min3A_326 : vector<2048x128xf32>
    %jit3A_334 = arith.constant 2.900000e+01 : f32
    %broadcast_in_dim3A_335 = vector.broadcast %jit3A_334 : f32 to vector<2048x128xf32>
    %select_n3A_336 = arith.select %lt3A_333, %broadcast_in_dim3A_335, %select_n3A_325 : vector<2048x128xi1>, vector<2048x128xf32>
    %min3A_337 = arith.minimumf %min3A_326, %add3A_332 : vector<2048x128xf32>
    %slice3A_338 = vector.extract_strided_slice %get3A_15 {offsets = [0, 3840], sizes = [1, 128], strides = [1, 1]} : vector<1x4096xf32> to vector<1x128xf32>
    %add3A_339 = vector.broadcast %get3A_6 : vector<2048x1xf32> to vector<2048x128xf32>
    %add3A_340 = vector.broadcast %slice3A_338 : vector<1x128xf32> to vector<2048x128xf32>
    %add3A_341 = arith.addf %add3A_339, %add3A_340 : vector<2048x128xf32>
    %slice3A_342 = vector.extract_strided_slice %dot_general3A_16 {offsets = [0, 3840], sizes = [2048, 128], strides = [1, 1]} : vector<2048x4096xf32> to vector<2048x128xf32>
    %add3A_343 = arith.addf %add3A_341, %slice3A_342 : vector<2048x128xf32>
    %lt3A_344 = arith.cmpf olt, %add3A_343, %min3A_337 : vector<2048x128xf32>
    %jit3A_345 = arith.constant 3.000000e+01 : f32
    %broadcast_in_dim3A_346 = vector.broadcast %jit3A_345 : f32 to vector<2048x128xf32>
    %select_n3A_347 = arith.select %lt3A_344, %broadcast_in_dim3A_346, %select_n3A_336 : vector<2048x128xi1>, vector<2048x128xf32>
    %min3A_348 = arith.minimumf %min3A_337, %add3A_343 : vector<2048x128xf32>
    %slice3A_349 = vector.extract_strided_slice %get3A_15 {offsets = [0, 3968], sizes = [1, 128], strides = [1, 1]} : vector<1x4096xf32> to vector<1x128xf32>
    %add3A_350 = vector.broadcast %get3A_6 : vector<2048x1xf32> to vector<2048x128xf32>
    %add3A_351 = vector.broadcast %slice3A_349 : vector<1x128xf32> to vector<2048x128xf32>
    %add3A_352 = arith.addf %add3A_350, %add3A_351 : vector<2048x128xf32>
    %slice3A_353 = vector.extract_strided_slice %dot_general3A_16 {offsets = [0, 3968], sizes = [2048, 128], strides = [1, 1]} : vector<2048x4096xf32> to vector<2048x128xf32>
    %add3A_354 = arith.addf %add3A_352, %slice3A_353 : vector<2048x128xf32>
    %lt3A_355 = arith.cmpf olt, %add3A_354, %min3A_348 : vector<2048x128xf32>
    %jit3A_356 = arith.constant 3.100000e+01 : f32
    %broadcast_in_dim3A_357 = vector.broadcast %jit3A_356 : f32 to vector<2048x128xf32>
    %select_n3A_358 = arith.select %lt3A_355, %broadcast_in_dim3A_357, %select_n3A_347 : vector<2048x128xi1>, vector<2048x128xf32>
    %min3A_359 = arith.minimumf %min3A_348, %add3A_354 : vector<2048x128xf32>
    %reduce_min3A = arith.constant dense<0x7F800000> : vector<2048xf32>
    %reduce_min3A_360 = vector.multi_reduction <minimumf>, %min3A_359, %reduce_min3A [1] : vector<2048x128xf32> to vector<2048xf32>
    %broadcast_in_dim3A_361 = vector.shape_cast %reduce_min3A_360 : vector<2048xf32> to vector<2048x1xf32>
    %eq3A = vector.broadcast %broadcast_in_dim3A_361 : vector<2048x1xf32> to vector<2048x128xf32>
    %eq3A_362 = arith.cmpf oeq, %min3A_359, %eq3A : vector<2048x128xf32>
    %mul3A_363 = arith.constant 1.280000e+02 : f32
    %mul3A_364 = vector.broadcast %mul3A_363 : f32 to vector<2048x128xf32>
    %mul3A_365 = arith.mulf %select_n3A_358, %mul3A_364 : vector<2048x128xf32>
    %add3A_366 = arith.addf %mul3A_365, %convert_element_type3A : vector<2048x128xf32>
    %jit3A_367 = arith.constant 8.192000e+03 : f32
    %broadcast_in_dim3A_368 = vector.broadcast %jit3A_367 : f32 to vector<2048x128xf32>
    %select_n3A_369 = arith.select %eq3A_362, %add3A_366, %broadcast_in_dim3A_368 : vector<2048x128xi1>, vector<2048x128xf32>
    %reduce_min3A_370 = arith.constant dense<0x7F800000> : vector<2048xf32>
    %reduce_min3A_371 = vector.multi_reduction <minimumf>, %select_n3A_369, %reduce_min3A_370 [1] : vector<2048x128xf32> to vector<2048xf32>
    %broadcast_in_dim3A_372 = vector.shape_cast %reduce_min3A_371 : vector<2048xf32> to vector<2048x1xf32>
    %add3A_373 = arith.constant 0.000000e+00 : f32
    %add3A_374 = vector.broadcast %add3A_373 : f32 to vector<2048x1xf32>
    %add3A_375 = arith.addf %broadcast_in_dim3A_372, %add3A_374 : vector<2048x1xf32>
    %lt3A_376 = arith.cmpf olt, %broadcast_in_dim3A_361, %broadcast_in_dim3A_7 : vector<2048x1xf32>
    %select_n3A_377 = arith.select %lt3A_376, %add3A_375, %broadcast_in_dim3A_9 : vector<2048x1xi1>, vector<2048x1xf32>
    %select_n3A_378 = arith.select %lt3A_376, %broadcast_in_dim3A_361, %broadcast_in_dim3A_7 : vector<2048x1xi1>, vector<2048x1xf32>
    %get3A_379 = arith.constant 4096 : index
    %get3A_380 = arith.constant 0 : index
    %get3A_381 = vector.load %arg4[%get3A_379, %get3A_380] : memref<8192x256xf32, #tpu.memory_space<vmem>>, vector<4096x256xf32>
    %get3A_382 = arith.constant 0 : index
    %get3A_383 = arith.constant 4096 : index
    %get3A_384 = vector.load %arg2[%get3A_382, %get3A_383] : memref<1x8192xf32, #tpu.memory_space<vmem>>, vector<1x4096xf32>
    %dot_general3A_385 = arith.constant dense<0.000000e+00> : vector<2048x4096xf32>
    %dot_general3A_386 = tpu.matmul %mul3A_3, %get3A_381, %dot_general3A_385 {dimension_numbers = #tpu.dot_dimension_numbers<[1], [1], [0], [0], [0, 0, 1, 0], [], []>, transpose_lhs_hint = false} : vector<2048x256xf32>, vector<4096x256xf32>, vector<2048x4096xf32> -> vector<2048x4096xf32>
    %slice3A_387 = vector.extract_strided_slice %get3A_384 {offsets = [0, 0], sizes = [1, 128], strides = [1, 1]} : vector<1x4096xf32> to vector<1x128xf32>
    %add3A_388 = vector.broadcast %get3A_6 : vector<2048x1xf32> to vector<2048x128xf32>
    %add3A_389 = vector.broadcast %slice3A_387 : vector<1x128xf32> to vector<2048x128xf32>
    %add3A_390 = arith.addf %add3A_388, %add3A_389 : vector<2048x128xf32>
    %slice3A_391 = vector.extract_strided_slice %dot_general3A_386 {offsets = [0, 0], sizes = [2048, 128], strides = [1, 1]} : vector<2048x4096xf32> to vector<2048x128xf32>
    %add3A_392 = arith.addf %add3A_390, %slice3A_391 : vector<2048x128xf32>
    %broadcast_in_dim3A_393 = arith.constant 0.000000e+00 : f32
    %broadcast_in_dim3A_394 = vector.broadcast %broadcast_in_dim3A_393 : f32 to vector<2048x128xf32>
    %slice3A_395 = vector.extract_strided_slice %get3A_384 {offsets = [0, 128], sizes = [1, 128], strides = [1, 1]} : vector<1x4096xf32> to vector<1x128xf32>
    %add3A_396 = vector.broadcast %get3A_6 : vector<2048x1xf32> to vector<2048x128xf32>
    %add3A_397 = vector.broadcast %slice3A_395 : vector<1x128xf32> to vector<2048x128xf32>
    %add3A_398 = arith.addf %add3A_396, %add3A_397 : vector<2048x128xf32>
    %slice3A_399 = vector.extract_strided_slice %dot_general3A_386 {offsets = [0, 128], sizes = [2048, 128], strides = [1, 1]} : vector<2048x4096xf32> to vector<2048x128xf32>
    %add3A_400 = arith.addf %add3A_398, %slice3A_399 : vector<2048x128xf32>
    %lt3A_401 = arith.cmpf olt, %add3A_400, %add3A_392 : vector<2048x128xf32>
    %jit3A_402 = arith.constant 1.000000e+00 : f32
    %broadcast_in_dim3A_403 = vector.broadcast %jit3A_402 : f32 to vector<2048x128xf32>
    %select_n3A_404 = arith.select %lt3A_401, %broadcast_in_dim3A_403, %broadcast_in_dim3A_394 : vector<2048x128xi1>, vector<2048x128xf32>
    %min3A_405 = arith.minimumf %add3A_392, %add3A_400 : vector<2048x128xf32>
    %slice3A_406 = vector.extract_strided_slice %get3A_384 {offsets = [0, 256], sizes = [1, 128], strides = [1, 1]} : vector<1x4096xf32> to vector<1x128xf32>
    %add3A_407 = vector.broadcast %get3A_6 : vector<2048x1xf32> to vector<2048x128xf32>
    %add3A_408 = vector.broadcast %slice3A_406 : vector<1x128xf32> to vector<2048x128xf32>
    %add3A_409 = arith.addf %add3A_407, %add3A_408 : vector<2048x128xf32>
    %slice3A_410 = vector.extract_strided_slice %dot_general3A_386 {offsets = [0, 256], sizes = [2048, 128], strides = [1, 1]} : vector<2048x4096xf32> to vector<2048x128xf32>
    %add3A_411 = arith.addf %add3A_409, %slice3A_410 : vector<2048x128xf32>
    %lt3A_412 = arith.cmpf olt, %add3A_411, %min3A_405 : vector<2048x128xf32>
    %jit3A_413 = arith.constant 2.000000e+00 : f32
    %broadcast_in_dim3A_414 = vector.broadcast %jit3A_413 : f32 to vector<2048x128xf32>
    %select_n3A_415 = arith.select %lt3A_412, %broadcast_in_dim3A_414, %select_n3A_404 : vector<2048x128xi1>, vector<2048x128xf32>
    %min3A_416 = arith.minimumf %min3A_405, %add3A_411 : vector<2048x128xf32>
    %slice3A_417 = vector.extract_strided_slice %get3A_384 {offsets = [0, 384], sizes = [1, 128], strides = [1, 1]} : vector<1x4096xf32> to vector<1x128xf32>
    %add3A_418 = vector.broadcast %get3A_6 : vector<2048x1xf32> to vector<2048x128xf32>
    %add3A_419 = vector.broadcast %slice3A_417 : vector<1x128xf32> to vector<2048x128xf32>
    %add3A_420 = arith.addf %add3A_418, %add3A_419 : vector<2048x128xf32>
    %slice3A_421 = vector.extract_strided_slice %dot_general3A_386 {offsets = [0, 384], sizes = [2048, 128], strides = [1, 1]} : vector<2048x4096xf32> to vector<2048x128xf32>
    %add3A_422 = arith.addf %add3A_420, %slice3A_421 : vector<2048x128xf32>
    %lt3A_423 = arith.cmpf olt, %add3A_422, %min3A_416 : vector<2048x128xf32>
    %jit3A_424 = arith.constant 3.000000e+00 : f32
    %broadcast_in_dim3A_425 = vector.broadcast %jit3A_424 : f32 to vector<2048x128xf32>
    %select_n3A_426 = arith.select %lt3A_423, %broadcast_in_dim3A_425, %select_n3A_415 : vector<2048x128xi1>, vector<2048x128xf32>
    %min3A_427 = arith.minimumf %min3A_416, %add3A_422 : vector<2048x128xf32>
    %slice3A_428 = vector.extract_strided_slice %get3A_384 {offsets = [0, 512], sizes = [1, 128], strides = [1, 1]} : vector<1x4096xf32> to vector<1x128xf32>
    %add3A_429 = vector.broadcast %get3A_6 : vector<2048x1xf32> to vector<2048x128xf32>
    %add3A_430 = vector.broadcast %slice3A_428 : vector<1x128xf32> to vector<2048x128xf32>
    %add3A_431 = arith.addf %add3A_429, %add3A_430 : vector<2048x128xf32>
    %slice3A_432 = vector.extract_strided_slice %dot_general3A_386 {offsets = [0, 512], sizes = [2048, 128], strides = [1, 1]} : vector<2048x4096xf32> to vector<2048x128xf32>
    %add3A_433 = arith.addf %add3A_431, %slice3A_432 : vector<2048x128xf32>
    %lt3A_434 = arith.cmpf olt, %add3A_433, %min3A_427 : vector<2048x128xf32>
    %jit3A_435 = arith.constant 4.000000e+00 : f32
    %broadcast_in_dim3A_436 = vector.broadcast %jit3A_435 : f32 to vector<2048x128xf32>
    %select_n3A_437 = arith.select %lt3A_434, %broadcast_in_dim3A_436, %select_n3A_426 : vector<2048x128xi1>, vector<2048x128xf32>
    %min3A_438 = arith.minimumf %min3A_427, %add3A_433 : vector<2048x128xf32>
    %slice3A_439 = vector.extract_strided_slice %get3A_384 {offsets = [0, 640], sizes = [1, 128], strides = [1, 1]} : vector<1x4096xf32> to vector<1x128xf32>
    %add3A_440 = vector.broadcast %get3A_6 : vector<2048x1xf32> to vector<2048x128xf32>
    %add3A_441 = vector.broadcast %slice3A_439 : vector<1x128xf32> to vector<2048x128xf32>
    %add3A_442 = arith.addf %add3A_440, %add3A_441 : vector<2048x128xf32>
    %slice3A_443 = vector.extract_strided_slice %dot_general3A_386 {offsets = [0, 640], sizes = [2048, 128], strides = [1, 1]} : vector<2048x4096xf32> to vector<2048x128xf32>
    %add3A_444 = arith.addf %add3A_442, %slice3A_443 : vector<2048x128xf32>
    %lt3A_445 = arith.cmpf olt, %add3A_444, %min3A_438 : vector<2048x128xf32>
    %jit3A_446 = arith.constant 5.000000e+00 : f32
    %broadcast_in_dim3A_447 = vector.broadcast %jit3A_446 : f32 to vector<2048x128xf32>
    %select_n3A_448 = arith.select %lt3A_445, %broadcast_in_dim3A_447, %select_n3A_437 : vector<2048x128xi1>, vector<2048x128xf32>
    %min3A_449 = arith.minimumf %min3A_438, %add3A_444 : vector<2048x128xf32>
    %slice3A_450 = vector.extract_strided_slice %get3A_384 {offsets = [0, 768], sizes = [1, 128], strides = [1, 1]} : vector<1x4096xf32> to vector<1x128xf32>
    %add3A_451 = vector.broadcast %get3A_6 : vector<2048x1xf32> to vector<2048x128xf32>
    %add3A_452 = vector.broadcast %slice3A_450 : vector<1x128xf32> to vector<2048x128xf32>
    %add3A_453 = arith.addf %add3A_451, %add3A_452 : vector<2048x128xf32>
    %slice3A_454 = vector.extract_strided_slice %dot_general3A_386 {offsets = [0, 768], sizes = [2048, 128], strides = [1, 1]} : vector<2048x4096xf32> to vector<2048x128xf32>
    %add3A_455 = arith.addf %add3A_453, %slice3A_454 : vector<2048x128xf32>
    %lt3A_456 = arith.cmpf olt, %add3A_455, %min3A_449 : vector<2048x128xf32>
    %jit3A_457 = arith.constant 6.000000e+00 : f32
    %broadcast_in_dim3A_458 = vector.broadcast %jit3A_457 : f32 to vector<2048x128xf32>
    %select_n3A_459 = arith.select %lt3A_456, %broadcast_in_dim3A_458, %select_n3A_448 : vector<2048x128xi1>, vector<2048x128xf32>
    %min3A_460 = arith.minimumf %min3A_449, %add3A_455 : vector<2048x128xf32>
    %slice3A_461 = vector.extract_strided_slice %get3A_384 {offsets = [0, 896], sizes = [1, 128], strides = [1, 1]} : vector<1x4096xf32> to vector<1x128xf32>
    %add3A_462 = vector.broadcast %get3A_6 : vector<2048x1xf32> to vector<2048x128xf32>
    %add3A_463 = vector.broadcast %slice3A_461 : vector<1x128xf32> to vector<2048x128xf32>
    %add3A_464 = arith.addf %add3A_462, %add3A_463 : vector<2048x128xf32>
    %slice3A_465 = vector.extract_strided_slice %dot_general3A_386 {offsets = [0, 896], sizes = [2048, 128], strides = [1, 1]} : vector<2048x4096xf32> to vector<2048x128xf32>
    %add3A_466 = arith.addf %add3A_464, %slice3A_465 : vector<2048x128xf32>
    %lt3A_467 = arith.cmpf olt, %add3A_466, %min3A_460 : vector<2048x128xf32>
    %jit3A_468 = arith.constant 7.000000e+00 : f32
    %broadcast_in_dim3A_469 = vector.broadcast %jit3A_468 : f32 to vector<2048x128xf32>
    %select_n3A_470 = arith.select %lt3A_467, %broadcast_in_dim3A_469, %select_n3A_459 : vector<2048x128xi1>, vector<2048x128xf32>
    %min3A_471 = arith.minimumf %min3A_460, %add3A_466 : vector<2048x128xf32>
    %slice3A_472 = vector.extract_strided_slice %get3A_384 {offsets = [0, 1024], sizes = [1, 128], strides = [1, 1]} : vector<1x4096xf32> to vector<1x128xf32>
    %add3A_473 = vector.broadcast %get3A_6 : vector<2048x1xf32> to vector<2048x128xf32>
    %add3A_474 = vector.broadcast %slice3A_472 : vector<1x128xf32> to vector<2048x128xf32>
    %add3A_475 = arith.addf %add3A_473, %add3A_474 : vector<2048x128xf32>
    %slice3A_476 = vector.extract_strided_slice %dot_general3A_386 {offsets = [0, 1024], sizes = [2048, 128], strides = [1, 1]} : vector<2048x4096xf32> to vector<2048x128xf32>
    %add3A_477 = arith.addf %add3A_475, %slice3A_476 : vector<2048x128xf32>
    %lt3A_478 = arith.cmpf olt, %add3A_477, %min3A_471 : vector<2048x128xf32>
    %jit3A_479 = arith.constant 8.000000e+00 : f32
    %broadcast_in_dim3A_480 = vector.broadcast %jit3A_479 : f32 to vector<2048x128xf32>
    %select_n3A_481 = arith.select %lt3A_478, %broadcast_in_dim3A_480, %select_n3A_470 : vector<2048x128xi1>, vector<2048x128xf32>
    %min3A_482 = arith.minimumf %min3A_471, %add3A_477 : vector<2048x128xf32>
    %slice3A_483 = vector.extract_strided_slice %get3A_384 {offsets = [0, 1152], sizes = [1, 128], strides = [1, 1]} : vector<1x4096xf32> to vector<1x128xf32>
    %add3A_484 = vector.broadcast %get3A_6 : vector<2048x1xf32> to vector<2048x128xf32>
    %add3A_485 = vector.broadcast %slice3A_483 : vector<1x128xf32> to vector<2048x128xf32>
    %add3A_486 = arith.addf %add3A_484, %add3A_485 : vector<2048x128xf32>
    %slice3A_487 = vector.extract_strided_slice %dot_general3A_386 {offsets = [0, 1152], sizes = [2048, 128], strides = [1, 1]} : vector<2048x4096xf32> to vector<2048x128xf32>
    %add3A_488 = arith.addf %add3A_486, %slice3A_487 : vector<2048x128xf32>
    %lt3A_489 = arith.cmpf olt, %add3A_488, %min3A_482 : vector<2048x128xf32>
    %jit3A_490 = arith.constant 9.000000e+00 : f32
    %broadcast_in_dim3A_491 = vector.broadcast %jit3A_490 : f32 to vector<2048x128xf32>
    %select_n3A_492 = arith.select %lt3A_489, %broadcast_in_dim3A_491, %select_n3A_481 : vector<2048x128xi1>, vector<2048x128xf32>
    %min3A_493 = arith.minimumf %min3A_482, %add3A_488 : vector<2048x128xf32>
    %slice3A_494 = vector.extract_strided_slice %get3A_384 {offsets = [0, 1280], sizes = [1, 128], strides = [1, 1]} : vector<1x4096xf32> to vector<1x128xf32>
    %add3A_495 = vector.broadcast %get3A_6 : vector<2048x1xf32> to vector<2048x128xf32>
    %add3A_496 = vector.broadcast %slice3A_494 : vector<1x128xf32> to vector<2048x128xf32>
    %add3A_497 = arith.addf %add3A_495, %add3A_496 : vector<2048x128xf32>
    %slice3A_498 = vector.extract_strided_slice %dot_general3A_386 {offsets = [0, 1280], sizes = [2048, 128], strides = [1, 1]} : vector<2048x4096xf32> to vector<2048x128xf32>
    %add3A_499 = arith.addf %add3A_497, %slice3A_498 : vector<2048x128xf32>
    %lt3A_500 = arith.cmpf olt, %add3A_499, %min3A_493 : vector<2048x128xf32>
    %jit3A_501 = arith.constant 1.000000e+01 : f32
    %broadcast_in_dim3A_502 = vector.broadcast %jit3A_501 : f32 to vector<2048x128xf32>
    %select_n3A_503 = arith.select %lt3A_500, %broadcast_in_dim3A_502, %select_n3A_492 : vector<2048x128xi1>, vector<2048x128xf32>
    %min3A_504 = arith.minimumf %min3A_493, %add3A_499 : vector<2048x128xf32>
    %slice3A_505 = vector.extract_strided_slice %get3A_384 {offsets = [0, 1408], sizes = [1, 128], strides = [1, 1]} : vector<1x4096xf32> to vector<1x128xf32>
    %add3A_506 = vector.broadcast %get3A_6 : vector<2048x1xf32> to vector<2048x128xf32>
    %add3A_507 = vector.broadcast %slice3A_505 : vector<1x128xf32> to vector<2048x128xf32>
    %add3A_508 = arith.addf %add3A_506, %add3A_507 : vector<2048x128xf32>
    %slice3A_509 = vector.extract_strided_slice %dot_general3A_386 {offsets = [0, 1408], sizes = [2048, 128], strides = [1, 1]} : vector<2048x4096xf32> to vector<2048x128xf32>
    %add3A_510 = arith.addf %add3A_508, %slice3A_509 : vector<2048x128xf32>
    %lt3A_511 = arith.cmpf olt, %add3A_510, %min3A_504 : vector<2048x128xf32>
    %jit3A_512 = arith.constant 1.100000e+01 : f32
    %broadcast_in_dim3A_513 = vector.broadcast %jit3A_512 : f32 to vector<2048x128xf32>
    %select_n3A_514 = arith.select %lt3A_511, %broadcast_in_dim3A_513, %select_n3A_503 : vector<2048x128xi1>, vector<2048x128xf32>
    %min3A_515 = arith.minimumf %min3A_504, %add3A_510 : vector<2048x128xf32>
    %slice3A_516 = vector.extract_strided_slice %get3A_384 {offsets = [0, 1536], sizes = [1, 128], strides = [1, 1]} : vector<1x4096xf32> to vector<1x128xf32>
    %add3A_517 = vector.broadcast %get3A_6 : vector<2048x1xf32> to vector<2048x128xf32>
    %add3A_518 = vector.broadcast %slice3A_516 : vector<1x128xf32> to vector<2048x128xf32>
    %add3A_519 = arith.addf %add3A_517, %add3A_518 : vector<2048x128xf32>
    %slice3A_520 = vector.extract_strided_slice %dot_general3A_386 {offsets = [0, 1536], sizes = [2048, 128], strides = [1, 1]} : vector<2048x4096xf32> to vector<2048x128xf32>
    %add3A_521 = arith.addf %add3A_519, %slice3A_520 : vector<2048x128xf32>
    %lt3A_522 = arith.cmpf olt, %add3A_521, %min3A_515 : vector<2048x128xf32>
    %jit3A_523 = arith.constant 1.200000e+01 : f32
    %broadcast_in_dim3A_524 = vector.broadcast %jit3A_523 : f32 to vector<2048x128xf32>
    %select_n3A_525 = arith.select %lt3A_522, %broadcast_in_dim3A_524, %select_n3A_514 : vector<2048x128xi1>, vector<2048x128xf32>
    %min3A_526 = arith.minimumf %min3A_515, %add3A_521 : vector<2048x128xf32>
    %slice3A_527 = vector.extract_strided_slice %get3A_384 {offsets = [0, 1664], sizes = [1, 128], strides = [1, 1]} : vector<1x4096xf32> to vector<1x128xf32>
    %add3A_528 = vector.broadcast %get3A_6 : vector<2048x1xf32> to vector<2048x128xf32>
    %add3A_529 = vector.broadcast %slice3A_527 : vector<1x128xf32> to vector<2048x128xf32>
    %add3A_530 = arith.addf %add3A_528, %add3A_529 : vector<2048x128xf32>
    %slice3A_531 = vector.extract_strided_slice %dot_general3A_386 {offsets = [0, 1664], sizes = [2048, 128], strides = [1, 1]} : vector<2048x4096xf32> to vector<2048x128xf32>
    %add3A_532 = arith.addf %add3A_530, %slice3A_531 : vector<2048x128xf32>
    %lt3A_533 = arith.cmpf olt, %add3A_532, %min3A_526 : vector<2048x128xf32>
    %jit3A_534 = arith.constant 1.300000e+01 : f32
    %broadcast_in_dim3A_535 = vector.broadcast %jit3A_534 : f32 to vector<2048x128xf32>
    %select_n3A_536 = arith.select %lt3A_533, %broadcast_in_dim3A_535, %select_n3A_525 : vector<2048x128xi1>, vector<2048x128xf32>
    %min3A_537 = arith.minimumf %min3A_526, %add3A_532 : vector<2048x128xf32>
    %slice3A_538 = vector.extract_strided_slice %get3A_384 {offsets = [0, 1792], sizes = [1, 128], strides = [1, 1]} : vector<1x4096xf32> to vector<1x128xf32>
    %add3A_539 = vector.broadcast %get3A_6 : vector<2048x1xf32> to vector<2048x128xf32>
    %add3A_540 = vector.broadcast %slice3A_538 : vector<1x128xf32> to vector<2048x128xf32>
    %add3A_541 = arith.addf %add3A_539, %add3A_540 : vector<2048x128xf32>
    %slice3A_542 = vector.extract_strided_slice %dot_general3A_386 {offsets = [0, 1792], sizes = [2048, 128], strides = [1, 1]} : vector<2048x4096xf32> to vector<2048x128xf32>
    %add3A_543 = arith.addf %add3A_541, %slice3A_542 : vector<2048x128xf32>
    %lt3A_544 = arith.cmpf olt, %add3A_543, %min3A_537 : vector<2048x128xf32>
    %jit3A_545 = arith.constant 1.400000e+01 : f32
    %broadcast_in_dim3A_546 = vector.broadcast %jit3A_545 : f32 to vector<2048x128xf32>
    %select_n3A_547 = arith.select %lt3A_544, %broadcast_in_dim3A_546, %select_n3A_536 : vector<2048x128xi1>, vector<2048x128xf32>
    %min3A_548 = arith.minimumf %min3A_537, %add3A_543 : vector<2048x128xf32>
    %slice3A_549 = vector.extract_strided_slice %get3A_384 {offsets = [0, 1920], sizes = [1, 128], strides = [1, 1]} : vector<1x4096xf32> to vector<1x128xf32>
    %add3A_550 = vector.broadcast %get3A_6 : vector<2048x1xf32> to vector<2048x128xf32>
    %add3A_551 = vector.broadcast %slice3A_549 : vector<1x128xf32> to vector<2048x128xf32>
    %add3A_552 = arith.addf %add3A_550, %add3A_551 : vector<2048x128xf32>
    %slice3A_553 = vector.extract_strided_slice %dot_general3A_386 {offsets = [0, 1920], sizes = [2048, 128], strides = [1, 1]} : vector<2048x4096xf32> to vector<2048x128xf32>
    %add3A_554 = arith.addf %add3A_552, %slice3A_553 : vector<2048x128xf32>
    %lt3A_555 = arith.cmpf olt, %add3A_554, %min3A_548 : vector<2048x128xf32>
    %jit3A_556 = arith.constant 1.500000e+01 : f32
    %broadcast_in_dim3A_557 = vector.broadcast %jit3A_556 : f32 to vector<2048x128xf32>
    %select_n3A_558 = arith.select %lt3A_555, %broadcast_in_dim3A_557, %select_n3A_547 : vector<2048x128xi1>, vector<2048x128xf32>
    %min3A_559 = arith.minimumf %min3A_548, %add3A_554 : vector<2048x128xf32>
    %slice3A_560 = vector.extract_strided_slice %get3A_384 {offsets = [0, 2048], sizes = [1, 128], strides = [1, 1]} : vector<1x4096xf32> to vector<1x128xf32>
    %add3A_561 = vector.broadcast %get3A_6 : vector<2048x1xf32> to vector<2048x128xf32>
    %add3A_562 = vector.broadcast %slice3A_560 : vector<1x128xf32> to vector<2048x128xf32>
    %add3A_563 = arith.addf %add3A_561, %add3A_562 : vector<2048x128xf32>
    %slice3A_564 = vector.extract_strided_slice %dot_general3A_386 {offsets = [0, 2048], sizes = [2048, 128], strides = [1, 1]} : vector<2048x4096xf32> to vector<2048x128xf32>
    %add3A_565 = arith.addf %add3A_563, %slice3A_564 : vector<2048x128xf32>
    %lt3A_566 = arith.cmpf olt, %add3A_565, %min3A_559 : vector<2048x128xf32>
    %jit3A_567 = arith.constant 1.600000e+01 : f32
    %broadcast_in_dim3A_568 = vector.broadcast %jit3A_567 : f32 to vector<2048x128xf32>
    %select_n3A_569 = arith.select %lt3A_566, %broadcast_in_dim3A_568, %select_n3A_558 : vector<2048x128xi1>, vector<2048x128xf32>
    %min3A_570 = arith.minimumf %min3A_559, %add3A_565 : vector<2048x128xf32>
    %slice3A_571 = vector.extract_strided_slice %get3A_384 {offsets = [0, 2176], sizes = [1, 128], strides = [1, 1]} : vector<1x4096xf32> to vector<1x128xf32>
    %add3A_572 = vector.broadcast %get3A_6 : vector<2048x1xf32> to vector<2048x128xf32>
    %add3A_573 = vector.broadcast %slice3A_571 : vector<1x128xf32> to vector<2048x128xf32>
    %add3A_574 = arith.addf %add3A_572, %add3A_573 : vector<2048x128xf32>
    %slice3A_575 = vector.extract_strided_slice %dot_general3A_386 {offsets = [0, 2176], sizes = [2048, 128], strides = [1, 1]} : vector<2048x4096xf32> to vector<2048x128xf32>
    %add3A_576 = arith.addf %add3A_574, %slice3A_575 : vector<2048x128xf32>
    %lt3A_577 = arith.cmpf olt, %add3A_576, %min3A_570 : vector<2048x128xf32>
    %jit3A_578 = arith.constant 1.700000e+01 : f32
    %broadcast_in_dim3A_579 = vector.broadcast %jit3A_578 : f32 to vector<2048x128xf32>
    %select_n3A_580 = arith.select %lt3A_577, %broadcast_in_dim3A_579, %select_n3A_569 : vector<2048x128xi1>, vector<2048x128xf32>
    %min3A_581 = arith.minimumf %min3A_570, %add3A_576 : vector<2048x128xf32>
    %slice3A_582 = vector.extract_strided_slice %get3A_384 {offsets = [0, 2304], sizes = [1, 128], strides = [1, 1]} : vector<1x4096xf32> to vector<1x128xf32>
    %add3A_583 = vector.broadcast %get3A_6 : vector<2048x1xf32> to vector<2048x128xf32>
    %add3A_584 = vector.broadcast %slice3A_582 : vector<1x128xf32> to vector<2048x128xf32>
    %add3A_585 = arith.addf %add3A_583, %add3A_584 : vector<2048x128xf32>
    %slice3A_586 = vector.extract_strided_slice %dot_general3A_386 {offsets = [0, 2304], sizes = [2048, 128], strides = [1, 1]} : vector<2048x4096xf32> to vector<2048x128xf32>
    %add3A_587 = arith.addf %add3A_585, %slice3A_586 : vector<2048x128xf32>
    %lt3A_588 = arith.cmpf olt, %add3A_587, %min3A_581 : vector<2048x128xf32>
    %jit3A_589 = arith.constant 1.800000e+01 : f32
    %broadcast_in_dim3A_590 = vector.broadcast %jit3A_589 : f32 to vector<2048x128xf32>
    %select_n3A_591 = arith.select %lt3A_588, %broadcast_in_dim3A_590, %select_n3A_580 : vector<2048x128xi1>, vector<2048x128xf32>
    %min3A_592 = arith.minimumf %min3A_581, %add3A_587 : vector<2048x128xf32>
    %slice3A_593 = vector.extract_strided_slice %get3A_384 {offsets = [0, 2432], sizes = [1, 128], strides = [1, 1]} : vector<1x4096xf32> to vector<1x128xf32>
    %add3A_594 = vector.broadcast %get3A_6 : vector<2048x1xf32> to vector<2048x128xf32>
    %add3A_595 = vector.broadcast %slice3A_593 : vector<1x128xf32> to vector<2048x128xf32>
    %add3A_596 = arith.addf %add3A_594, %add3A_595 : vector<2048x128xf32>
    %slice3A_597 = vector.extract_strided_slice %dot_general3A_386 {offsets = [0, 2432], sizes = [2048, 128], strides = [1, 1]} : vector<2048x4096xf32> to vector<2048x128xf32>
    %add3A_598 = arith.addf %add3A_596, %slice3A_597 : vector<2048x128xf32>
    %lt3A_599 = arith.cmpf olt, %add3A_598, %min3A_592 : vector<2048x128xf32>
    %jit3A_600 = arith.constant 1.900000e+01 : f32
    %broadcast_in_dim3A_601 = vector.broadcast %jit3A_600 : f32 to vector<2048x128xf32>
    %select_n3A_602 = arith.select %lt3A_599, %broadcast_in_dim3A_601, %select_n3A_591 : vector<2048x128xi1>, vector<2048x128xf32>
    %min3A_603 = arith.minimumf %min3A_592, %add3A_598 : vector<2048x128xf32>
    %slice3A_604 = vector.extract_strided_slice %get3A_384 {offsets = [0, 2560], sizes = [1, 128], strides = [1, 1]} : vector<1x4096xf32> to vector<1x128xf32>
    %add3A_605 = vector.broadcast %get3A_6 : vector<2048x1xf32> to vector<2048x128xf32>
    %add3A_606 = vector.broadcast %slice3A_604 : vector<1x128xf32> to vector<2048x128xf32>
    %add3A_607 = arith.addf %add3A_605, %add3A_606 : vector<2048x128xf32>
    %slice3A_608 = vector.extract_strided_slice %dot_general3A_386 {offsets = [0, 2560], sizes = [2048, 128], strides = [1, 1]} : vector<2048x4096xf32> to vector<2048x128xf32>
    %add3A_609 = arith.addf %add3A_607, %slice3A_608 : vector<2048x128xf32>
    %lt3A_610 = arith.cmpf olt, %add3A_609, %min3A_603 : vector<2048x128xf32>
    %jit3A_611 = arith.constant 2.000000e+01 : f32
    %broadcast_in_dim3A_612 = vector.broadcast %jit3A_611 : f32 to vector<2048x128xf32>
    %select_n3A_613 = arith.select %lt3A_610, %broadcast_in_dim3A_612, %select_n3A_602 : vector<2048x128xi1>, vector<2048x128xf32>
    %min3A_614 = arith.minimumf %min3A_603, %add3A_609 : vector<2048x128xf32>
    %slice3A_615 = vector.extract_strided_slice %get3A_384 {offsets = [0, 2688], sizes = [1, 128], strides = [1, 1]} : vector<1x4096xf32> to vector<1x128xf32>
    %add3A_616 = vector.broadcast %get3A_6 : vector<2048x1xf32> to vector<2048x128xf32>
    %add3A_617 = vector.broadcast %slice3A_615 : vector<1x128xf32> to vector<2048x128xf32>
    %add3A_618 = arith.addf %add3A_616, %add3A_617 : vector<2048x128xf32>
    %slice3A_619 = vector.extract_strided_slice %dot_general3A_386 {offsets = [0, 2688], sizes = [2048, 128], strides = [1, 1]} : vector<2048x4096xf32> to vector<2048x128xf32>
    %add3A_620 = arith.addf %add3A_618, %slice3A_619 : vector<2048x128xf32>
    %lt3A_621 = arith.cmpf olt, %add3A_620, %min3A_614 : vector<2048x128xf32>
    %jit3A_622 = arith.constant 2.100000e+01 : f32
    %broadcast_in_dim3A_623 = vector.broadcast %jit3A_622 : f32 to vector<2048x128xf32>
    %select_n3A_624 = arith.select %lt3A_621, %broadcast_in_dim3A_623, %select_n3A_613 : vector<2048x128xi1>, vector<2048x128xf32>
    %min3A_625 = arith.minimumf %min3A_614, %add3A_620 : vector<2048x128xf32>
    %slice3A_626 = vector.extract_strided_slice %get3A_384 {offsets = [0, 2816], sizes = [1, 128], strides = [1, 1]} : vector<1x4096xf32> to vector<1x128xf32>
    %add3A_627 = vector.broadcast %get3A_6 : vector<2048x1xf32> to vector<2048x128xf32>
    %add3A_628 = vector.broadcast %slice3A_626 : vector<1x128xf32> to vector<2048x128xf32>
    %add3A_629 = arith.addf %add3A_627, %add3A_628 : vector<2048x128xf32>
    %slice3A_630 = vector.extract_strided_slice %dot_general3A_386 {offsets = [0, 2816], sizes = [2048, 128], strides = [1, 1]} : vector<2048x4096xf32> to vector<2048x128xf32>
    %add3A_631 = arith.addf %add3A_629, %slice3A_630 : vector<2048x128xf32>
    %lt3A_632 = arith.cmpf olt, %add3A_631, %min3A_625 : vector<2048x128xf32>
    %jit3A_633 = arith.constant 2.200000e+01 : f32
    %broadcast_in_dim3A_634 = vector.broadcast %jit3A_633 : f32 to vector<2048x128xf32>
    %select_n3A_635 = arith.select %lt3A_632, %broadcast_in_dim3A_634, %select_n3A_624 : vector<2048x128xi1>, vector<2048x128xf32>
    %min3A_636 = arith.minimumf %min3A_625, %add3A_631 : vector<2048x128xf32>
    %slice3A_637 = vector.extract_strided_slice %get3A_384 {offsets = [0, 2944], sizes = [1, 128], strides = [1, 1]} : vector<1x4096xf32> to vector<1x128xf32>
    %add3A_638 = vector.broadcast %get3A_6 : vector<2048x1xf32> to vector<2048x128xf32>
    %add3A_639 = vector.broadcast %slice3A_637 : vector<1x128xf32> to vector<2048x128xf32>
    %add3A_640 = arith.addf %add3A_638, %add3A_639 : vector<2048x128xf32>
    %slice3A_641 = vector.extract_strided_slice %dot_general3A_386 {offsets = [0, 2944], sizes = [2048, 128], strides = [1, 1]} : vector<2048x4096xf32> to vector<2048x128xf32>
    %add3A_642 = arith.addf %add3A_640, %slice3A_641 : vector<2048x128xf32>
    %lt3A_643 = arith.cmpf olt, %add3A_642, %min3A_636 : vector<2048x128xf32>
    %jit3A_644 = arith.constant 2.300000e+01 : f32
    %broadcast_in_dim3A_645 = vector.broadcast %jit3A_644 : f32 to vector<2048x128xf32>
    %select_n3A_646 = arith.select %lt3A_643, %broadcast_in_dim3A_645, %select_n3A_635 : vector<2048x128xi1>, vector<2048x128xf32>
    %min3A_647 = arith.minimumf %min3A_636, %add3A_642 : vector<2048x128xf32>
    %slice3A_648 = vector.extract_strided_slice %get3A_384 {offsets = [0, 3072], sizes = [1, 128], strides = [1, 1]} : vector<1x4096xf32> to vector<1x128xf32>
    %add3A_649 = vector.broadcast %get3A_6 : vector<2048x1xf32> to vector<2048x128xf32>
    %add3A_650 = vector.broadcast %slice3A_648 : vector<1x128xf32> to vector<2048x128xf32>
    %add3A_651 = arith.addf %add3A_649, %add3A_650 : vector<2048x128xf32>
    %slice3A_652 = vector.extract_strided_slice %dot_general3A_386 {offsets = [0, 3072], sizes = [2048, 128], strides = [1, 1]} : vector<2048x4096xf32> to vector<2048x128xf32>
    %add3A_653 = arith.addf %add3A_651, %slice3A_652 : vector<2048x128xf32>
    %lt3A_654 = arith.cmpf olt, %add3A_653, %min3A_647 : vector<2048x128xf32>
    %jit3A_655 = arith.constant 2.400000e+01 : f32
    %broadcast_in_dim3A_656 = vector.broadcast %jit3A_655 : f32 to vector<2048x128xf32>
    %select_n3A_657 = arith.select %lt3A_654, %broadcast_in_dim3A_656, %select_n3A_646 : vector<2048x128xi1>, vector<2048x128xf32>
    %min3A_658 = arith.minimumf %min3A_647, %add3A_653 : vector<2048x128xf32>
    %slice3A_659 = vector.extract_strided_slice %get3A_384 {offsets = [0, 3200], sizes = [1, 128], strides = [1, 1]} : vector<1x4096xf32> to vector<1x128xf32>
    %add3A_660 = vector.broadcast %get3A_6 : vector<2048x1xf32> to vector<2048x128xf32>
    %add3A_661 = vector.broadcast %slice3A_659 : vector<1x128xf32> to vector<2048x128xf32>
    %add3A_662 = arith.addf %add3A_660, %add3A_661 : vector<2048x128xf32>
    %slice3A_663 = vector.extract_strided_slice %dot_general3A_386 {offsets = [0, 3200], sizes = [2048, 128], strides = [1, 1]} : vector<2048x4096xf32> to vector<2048x128xf32>
    %add3A_664 = arith.addf %add3A_662, %slice3A_663 : vector<2048x128xf32>
    %lt3A_665 = arith.cmpf olt, %add3A_664, %min3A_658 : vector<2048x128xf32>
    %jit3A_666 = arith.constant 2.500000e+01 : f32
    %broadcast_in_dim3A_667 = vector.broadcast %jit3A_666 : f32 to vector<2048x128xf32>
    %select_n3A_668 = arith.select %lt3A_665, %broadcast_in_dim3A_667, %select_n3A_657 : vector<2048x128xi1>, vector<2048x128xf32>
    %min3A_669 = arith.minimumf %min3A_658, %add3A_664 : vector<2048x128xf32>
    %slice3A_670 = vector.extract_strided_slice %get3A_384 {offsets = [0, 3328], sizes = [1, 128], strides = [1, 1]} : vector<1x4096xf32> to vector<1x128xf32>
    %add3A_671 = vector.broadcast %get3A_6 : vector<2048x1xf32> to vector<2048x128xf32>
    %add3A_672 = vector.broadcast %slice3A_670 : vector<1x128xf32> to vector<2048x128xf32>
    %add3A_673 = arith.addf %add3A_671, %add3A_672 : vector<2048x128xf32>
    %slice3A_674 = vector.extract_strided_slice %dot_general3A_386 {offsets = [0, 3328], sizes = [2048, 128], strides = [1, 1]} : vector<2048x4096xf32> to vector<2048x128xf32>
    %add3A_675 = arith.addf %add3A_673, %slice3A_674 : vector<2048x128xf32>
    %lt3A_676 = arith.cmpf olt, %add3A_675, %min3A_669 : vector<2048x128xf32>
    %jit3A_677 = arith.constant 2.600000e+01 : f32
    %broadcast_in_dim3A_678 = vector.broadcast %jit3A_677 : f32 to vector<2048x128xf32>
    %select_n3A_679 = arith.select %lt3A_676, %broadcast_in_dim3A_678, %select_n3A_668 : vector<2048x128xi1>, vector<2048x128xf32>
    %min3A_680 = arith.minimumf %min3A_669, %add3A_675 : vector<2048x128xf32>
    %slice3A_681 = vector.extract_strided_slice %get3A_384 {offsets = [0, 3456], sizes = [1, 128], strides = [1, 1]} : vector<1x4096xf32> to vector<1x128xf32>
    %add3A_682 = vector.broadcast %get3A_6 : vector<2048x1xf32> to vector<2048x128xf32>
    %add3A_683 = vector.broadcast %slice3A_681 : vector<1x128xf32> to vector<2048x128xf32>
    %add3A_684 = arith.addf %add3A_682, %add3A_683 : vector<2048x128xf32>
    %slice3A_685 = vector.extract_strided_slice %dot_general3A_386 {offsets = [0, 3456], sizes = [2048, 128], strides = [1, 1]} : vector<2048x4096xf32> to vector<2048x128xf32>
    %add3A_686 = arith.addf %add3A_684, %slice3A_685 : vector<2048x128xf32>
    %lt3A_687 = arith.cmpf olt, %add3A_686, %min3A_680 : vector<2048x128xf32>
    %jit3A_688 = arith.constant 2.700000e+01 : f32
    %broadcast_in_dim3A_689 = vector.broadcast %jit3A_688 : f32 to vector<2048x128xf32>
    %select_n3A_690 = arith.select %lt3A_687, %broadcast_in_dim3A_689, %select_n3A_679 : vector<2048x128xi1>, vector<2048x128xf32>
    %min3A_691 = arith.minimumf %min3A_680, %add3A_686 : vector<2048x128xf32>
    %slice3A_692 = vector.extract_strided_slice %get3A_384 {offsets = [0, 3584], sizes = [1, 128], strides = [1, 1]} : vector<1x4096xf32> to vector<1x128xf32>
    %add3A_693 = vector.broadcast %get3A_6 : vector<2048x1xf32> to vector<2048x128xf32>
    %add3A_694 = vector.broadcast %slice3A_692 : vector<1x128xf32> to vector<2048x128xf32>
    %add3A_695 = arith.addf %add3A_693, %add3A_694 : vector<2048x128xf32>
    %slice3A_696 = vector.extract_strided_slice %dot_general3A_386 {offsets = [0, 3584], sizes = [2048, 128], strides = [1, 1]} : vector<2048x4096xf32> to vector<2048x128xf32>
    %add3A_697 = arith.addf %add3A_695, %slice3A_696 : vector<2048x128xf32>
    %lt3A_698 = arith.cmpf olt, %add3A_697, %min3A_691 : vector<2048x128xf32>
    %jit3A_699 = arith.constant 2.800000e+01 : f32
    %broadcast_in_dim3A_700 = vector.broadcast %jit3A_699 : f32 to vector<2048x128xf32>
    %select_n3A_701 = arith.select %lt3A_698, %broadcast_in_dim3A_700, %select_n3A_690 : vector<2048x128xi1>, vector<2048x128xf32>
    %min3A_702 = arith.minimumf %min3A_691, %add3A_697 : vector<2048x128xf32>
    %slice3A_703 = vector.extract_strided_slice %get3A_384 {offsets = [0, 3712], sizes = [1, 128], strides = [1, 1]} : vector<1x4096xf32> to vector<1x128xf32>
    %add3A_704 = vector.broadcast %get3A_6 : vector<2048x1xf32> to vector<2048x128xf32>
    %add3A_705 = vector.broadcast %slice3A_703 : vector<1x128xf32> to vector<2048x128xf32>
    %add3A_706 = arith.addf %add3A_704, %add3A_705 : vector<2048x128xf32>
    %slice3A_707 = vector.extract_strided_slice %dot_general3A_386 {offsets = [0, 3712], sizes = [2048, 128], strides = [1, 1]} : vector<2048x4096xf32> to vector<2048x128xf32>
    %add3A_708 = arith.addf %add3A_706, %slice3A_707 : vector<2048x128xf32>
    %lt3A_709 = arith.cmpf olt, %add3A_708, %min3A_702 : vector<2048x128xf32>
    %jit3A_710 = arith.constant 2.900000e+01 : f32
    %broadcast_in_dim3A_711 = vector.broadcast %jit3A_710 : f32 to vector<2048x128xf32>
    %select_n3A_712 = arith.select %lt3A_709, %broadcast_in_dim3A_711, %select_n3A_701 : vector<2048x128xi1>, vector<2048x128xf32>
    %min3A_713 = arith.minimumf %min3A_702, %add3A_708 : vector<2048x128xf32>
    %slice3A_714 = vector.extract_strided_slice %get3A_384 {offsets = [0, 3840], sizes = [1, 128], strides = [1, 1]} : vector<1x4096xf32> to vector<1x128xf32>
    %add3A_715 = vector.broadcast %get3A_6 : vector<2048x1xf32> to vector<2048x128xf32>
    %add3A_716 = vector.broadcast %slice3A_714 : vector<1x128xf32> to vector<2048x128xf32>
    %add3A_717 = arith.addf %add3A_715, %add3A_716 : vector<2048x128xf32>
    %slice3A_718 = vector.extract_strided_slice %dot_general3A_386 {offsets = [0, 3840], sizes = [2048, 128], strides = [1, 1]} : vector<2048x4096xf32> to vector<2048x128xf32>
    %add3A_719 = arith.addf %add3A_717, %slice3A_718 : vector<2048x128xf32>
    %lt3A_720 = arith.cmpf olt, %add3A_719, %min3A_713 : vector<2048x128xf32>
    %jit3A_721 = arith.constant 3.000000e+01 : f32
    %broadcast_in_dim3A_722 = vector.broadcast %jit3A_721 : f32 to vector<2048x128xf32>
    %select_n3A_723 = arith.select %lt3A_720, %broadcast_in_dim3A_722, %select_n3A_712 : vector<2048x128xi1>, vector<2048x128xf32>
    %min3A_724 = arith.minimumf %min3A_713, %add3A_719 : vector<2048x128xf32>
    %slice3A_725 = vector.extract_strided_slice %get3A_384 {offsets = [0, 3968], sizes = [1, 128], strides = [1, 1]} : vector<1x4096xf32> to vector<1x128xf32>
    %add3A_726 = vector.broadcast %get3A_6 : vector<2048x1xf32> to vector<2048x128xf32>
    %add3A_727 = vector.broadcast %slice3A_725 : vector<1x128xf32> to vector<2048x128xf32>
    %add3A_728 = arith.addf %add3A_726, %add3A_727 : vector<2048x128xf32>
    %slice3A_729 = vector.extract_strided_slice %dot_general3A_386 {offsets = [0, 3968], sizes = [2048, 128], strides = [1, 1]} : vector<2048x4096xf32> to vector<2048x128xf32>
    %add3A_730 = arith.addf %add3A_728, %slice3A_729 : vector<2048x128xf32>
    %lt3A_731 = arith.cmpf olt, %add3A_730, %min3A_724 : vector<2048x128xf32>
    %jit3A_732 = arith.constant 3.100000e+01 : f32
    %broadcast_in_dim3A_733 = vector.broadcast %jit3A_732 : f32 to vector<2048x128xf32>
    %select_n3A_734 = arith.select %lt3A_731, %broadcast_in_dim3A_733, %select_n3A_723 : vector<2048x128xi1>, vector<2048x128xf32>
    %min3A_735 = arith.minimumf %min3A_724, %add3A_730 : vector<2048x128xf32>
    %reduce_min3A_736 = arith.constant dense<0x7F800000> : vector<2048xf32>
    %reduce_min3A_737 = vector.multi_reduction <minimumf>, %min3A_735, %reduce_min3A_736 [1] : vector<2048x128xf32> to vector<2048xf32>
    %broadcast_in_dim3A_738 = vector.shape_cast %reduce_min3A_737 : vector<2048xf32> to vector<2048x1xf32>
    %eq3A_739 = vector.broadcast %broadcast_in_dim3A_738 : vector<2048x1xf32> to vector<2048x128xf32>
    %eq3A_740 = arith.cmpf oeq, %min3A_735, %eq3A_739 : vector<2048x128xf32>
    %mul3A_741 = arith.constant 1.280000e+02 : f32
    %mul3A_742 = vector.broadcast %mul3A_741 : f32 to vector<2048x128xf32>
    %mul3A_743 = arith.mulf %select_n3A_734, %mul3A_742 : vector<2048x128xf32>
    %add3A_744 = arith.addf %mul3A_743, %convert_element_type3A : vector<2048x128xf32>
    %jit3A_745 = arith.constant 8.192000e+03 : f32
    %broadcast_in_dim3A_746 = vector.broadcast %jit3A_745 : f32 to vector<2048x128xf32>
    %select_n3A_747 = arith.select %eq3A_740, %add3A_744, %broadcast_in_dim3A_746 : vector<2048x128xi1>, vector<2048x128xf32>
    %reduce_min3A_748 = arith.constant dense<0x7F800000> : vector<2048xf32>
    %reduce_min3A_749 = vector.multi_reduction <minimumf>, %select_n3A_747, %reduce_min3A_748 [1] : vector<2048x128xf32> to vector<2048xf32>
    %broadcast_in_dim3A_750 = vector.shape_cast %reduce_min3A_749 : vector<2048xf32> to vector<2048x1xf32>
    %add3A_751 = arith.constant 4.096000e+03 : f32
    %add3A_752 = vector.broadcast %add3A_751 : f32 to vector<2048x1xf32>
    %add3A_753 = arith.addf %broadcast_in_dim3A_750, %add3A_752 : vector<2048x1xf32>
    %lt3A_754 = arith.cmpf olt, %broadcast_in_dim3A_738, %select_n3A_378 : vector<2048x1xf32>
    %select_n3A_755 = arith.select %lt3A_754, %add3A_753, %select_n3A_377 : vector<2048x1xi1>, vector<2048x1xf32>
    %select_n3A_756 = arith.select %lt3A_754, %broadcast_in_dim3A_738, %select_n3A_378 : vector<2048x1xi1>, vector<2048x1xf32>
    %convert_element_type3A_757 = arith.fptosi %select_n3A_755 : vector<2048x1xf32> to vector<2048x1xi32>
    %swap3A = arith.constant 0 : index
    %swap3A_758 = arith.constant 0 : index
    %swap3A_759 = vector.load %arg5[%swap3A, %swap3A_758] : memref<2048x1xi32, #tpu.memory_space<vmem>>, vector<2048x1xi32>
    tpu.vector_store %arg5[%swap3A, %swap3A_758], %convert_element_type3A_757 {strides = array<i32>} : memref<2048x1xi32, #tpu.memory_space<vmem>>, vector<2048x1xi32>,
    %eq3A_760 = arith.constant 0 : i32
    %eq3A_761 = arith.cmpi eq, %arg0, %eq3A_760 : i32
    %convert_element_type3A_762 = arith.extui %eq3A_761 : i1 to i32
    %cond3A = arith.constant 0 : i32
    %cond3A_763 = arith.cmpi ne, %convert_element_type3A_762, %cond3A : i32
    scf.if %cond3A_763 {
      %broadcast_in_dim3A_781 = arith.constant 0.000000e+00 : f32
      %broadcast_in_dim3A_782 = vector.broadcast %broadcast_in_dim3A_781 : f32 to vector<1x1xf32>
      %swap3A_783 = arith.constant 0 : index
      %swap3A_784 = arith.constant 0 : index
      %swap3A_785 = vector.load %arg6[%swap3A_783, %swap3A_784] : memref<1x1xf32, #tpu.memory_space<vmem>>, vector<1x1xf32>
      tpu.vector_store %arg6[%swap3A_783, %swap3A_784], %broadcast_in_dim3A_782 {strides = array<i32>} : memref<1x1xf32, #tpu.memory_space<vmem>>, vector<1x1xf32>,
    } else {
    }
    %get3A_764 = arith.constant 0 : index
    %get3A_765 = arith.constant 0 : index
    %get3A_766 = vector.load %arg6[%get3A_764, %get3A_765] : memref<1x1xf32, #tpu.memory_space<vmem>>, vector<1x1xf32>
    %reduce_sum3A = vector.shape_cast %select_n3A_756 : vector<2048x1xf32> to vector<1x2048x1xf32>
    %reduce_sum3A_767 = arith.constant dense<0.000000e+00> : vector<1xf32>
    %reduce_sum3A_768 = vector.multi_reduction <add>, %reduce_sum3A, %reduce_sum3A_767 [1, 2] : vector<1x2048x1xf32> to vector<1xf32>
    %reduce_sum3A_769 = vector.shape_cast %reduce_sum3A_768 : vector<1xf32> to vector<1x1x1xf32>
    %reduce_sum3A_770 = vector.extract %reduce_sum3A_769[0, 0, 0] : f32 from vector<1x1x1xf32>
    %add3A_771 = vector.broadcast %reduce_sum3A_770 : f32 to vector<1x1xf32>
    %add3A_772 = arith.addf %get3A_766, %add3A_771 : vector<1x1xf32>
    %swap3A_773 = arith.constant 0 : index
    %swap3A_774 = arith.constant 0 : index
    %swap3A_775 = vector.load %arg6[%swap3A_773, %swap3A_774] : memref<1x1xf32, #tpu.memory_space<vmem>>, vector<1x1xf32>
    tpu.vector_store %arg6[%swap3A_773, %swap3A_774], %add3A_772 {strides = array<i32>} : memref<1x1xf32, #tpu.memory_space<vmem>>, vector<1x1xf32>,
    %eq3A_776 = arith.constant 8 : i32
    %eq3A_777 = arith.cmpi eq, %arg0, %eq3A_776 : i32
    %convert_element_type3A_778 = arith.extui %eq3A_777 : i1 to i32
    %cond3A_779 = arith.constant 0 : i32
    %cond3A_780 = arith.cmpi ne, %convert_element_type3A_778, %cond3A_779 : i32
    scf.if %cond3A_780 {
      %get3A_781 = arith.constant 0 : index
      %get3A_782 = arith.constant 0 : index
      %get3A_783 = vector.load %arg6[%get3A_781, %get3A_782] : memref<1x1xf32, #tpu.memory_space<vmem>>, vector<1x1xf32>
      %mul3A_784 = arith.constant 2.64909545E-7 : f32
      %mul3A_785 = vector.broadcast %mul3A_784 : f32 to vector<1x1xf32>
      %mul3A_786 = arith.mulf %get3A_783, %mul3A_785 : vector<1x1xf32>
      %swap3A_787 = arith.constant 0 : index
      %swap3A_788 = arith.constant 0 : index
      %swap3A_789 = vector.load %arg6[%swap3A_787, %swap3A_788] : memref<1x1xf32, #tpu.memory_space<vmem>>, vector<1x1xf32>
      tpu.vector_store %arg6[%swap3A_787, %swap3A_788], %mul3A_786 {strides = array<i32>} : memref<1x1xf32, #tpu.memory_space<vmem>>, vector<1x1xf32>,
    } else {
    }
    return
  }
  func.func @transform_0(%arg0: i32) -> (i32, i32) {
    %c0_i32 = arith.constant 0 : i32
    %c0_i32_0 = arith.constant 0 : i32
    return %arg0, %c0_i32 : i32, i32
  }
  func.func @transform_1(%arg0: i32) -> (i32, i32) {
    %c0_i32 = arith.constant 0 : i32
    %c0_i32_0 = arith.constant 0 : i32
    %c0_i32_1 = arith.constant 0 : i32
    return %c0_i32, %c0_i32_0 : i32, i32
  }
  func.func @transform_2(%arg0: i32) -> (i32, i32) {
    %c0_i32 = arith.constant 0 : i32
    %c0_i32_0 = arith.constant 0 : i32
    return %arg0, %c0_i32 : i32, i32
  }
  func.func @transform_3(%arg0: i32) -> (i32, i32) {
    %c0_i32 = arith.constant 0 : i32
    %c0_i32_0 = arith.constant 0 : i32
    %c0_i32_1 = arith.constant 0 : i32
    return %c0_i32, %c0_i32_0 : i32, i32
  }
  func.func @transform_4(%arg0: i32) -> (i32, i32) {
    %c0_i32 = arith.constant 0 : i32
    %c0_i32_0 = arith.constant 0 : i32
    return %arg0, %c0_i32 : i32, i32
  }
  func.func @transform_5(%arg0: i32) -> (i32, i32) {
    %c0_i32 = arith.constant 0 : i32
    %c0_i32_0 = arith.constant 0 : i32
    %c0_i32_1 = arith.constant 0 : i32
    return %c0_i32, %c0_i32_0 : i32, i32
  }
}

</mosaic_0001>

<sc_bundles>
// kernel: kernel.4.cloned.1.call-start
scs
__scs_entry_jumppad:
0x0: {  	(pc) =	sbr.rel $0x88, $3  }
0x1: {  	(tag) =	ssettag $0x0;
	lr =	simm.s32 $0x1  }
0x2: {  	[smem:$0x3F9F] =	sst lr;
	_ =	strace $0xD0000000  }
0x3: {  	_ = 	snop  }
0x4: {  	_ = 	snop  }
0x5: {  	_ = 	snop  }
0x6: {  	_ = 	snop  }
0x7: {  	_ = 	snop  }
__scs_overlays_trampoline_lowered:
0x8: {  	[smem:$0x3FAE] =	sst s0  }
0x9: {  	[smem:$0x3FAF] =	sst s1  }
0xa: {  	[smem:$0x3FB0] =	sst s2  }
0xb: {  	[smem:$0x3FB1] =	sst s3  }
0xc: {  	[smem:$0x3FB2] =	sst s4  }
0xd: {  	[smem:$0x3FB3] =	sst s5  }
0xe: {  	[smem:$0x3FB4] =	sst s6  }
0xf: {  	[smem:$0x3FB5] =	sst s7  }
0x10: {  	[smem:$0x3FB6] =	sst s8  }
0x11: {  	[smem:$0x3FB7] =	sst s9;
	s0 =	simm.s32 @!p0 $0x0  }
0x12: {  	s1 =	sld [smem:$0x3F9D];
	s0 =	simm.s32 @p0 $0x1  }
0x13: {  	[smem:$0x3FB8] =	sst s0;
	s0 =	simm.s32 @!p1 $0x0  }
0x14: {  	s2 =	sld [smem:$0x3F9C];
	s0 =	simm.s32 @p1 $0x1  }
0x15: {  	[smem:$0x3FB9] =	sst s0;
	s0 =	simm.s32 @!p2 $0x0  }
0x16: {  	s3 =	sld [smem:$0x3FDB];
	s0 =	simm.s32 @p2 $0x1  }
0x17: {  	s4 =	simm.s32 $0x1BF5;
	[smem:$0x3FBB] =	sst s0  }
0x18: {  	s0 =	sld [smem:$0x3F9E];
	_ =	swait.ge [sflag:s4], $0x0  }
0x19: {  	s7 =	sld [smem:$0x3F9F]  }
0x1a: {  	s8 =	sadd.s32 $0xFFFFE003, lr  }
0x1b: {  	s9 =	sadd.s32 $0xFFFFFEF7, lr;
	s5 =	simm.s32 $0xFFFFFFFF;
	p2 =	slt.u32 s8, $0xFFFFF086  }
0x1c: {  	p1 =	slt.u32 s9, $0xF7A;
	s5 =	simm.s32 @!p2 $0x0  }
0x1d: {  	s5 =	simm.s32 @p1 $0x1;
	p0 =	seq.s32 s7, s2  }
0x1e: {  	s7 =	smul.u32 @!p0 $0xF7A, s2;
	p2 =	seq.s32 @!p0 s5, $0x0  }
0x1f: {  	s9 =	smul.u32 $0xF7A, s1;
	s8 =	simm.s32 @!p0 $0x1BF5;
	p2 =	por !p2, p0  }
0x20: {  	[sflag:s8] =	ssyncset.s32 @!p0 $0xFFFFF086;
	s6 =	sadd.s32 @!p0 s3, s7;
	s7 =	simm.s32 @!p0 $0x108  }
0x21: {  	s3 =	sadd.s32 s3, s9;
	s6 =	sadd.s32 @!p0 $0x88, s6;
	s7 =	simm.s32 @p2 $0x1082  }
0x22: {  	[simem:s7], [sflag:s8] =	dma.local @!p0 [hbm:s6], $0xF7A  }
0x23: {  	s9 =	sor.u32 $0xD0000000, s2;
	s6 =	simm.s32 $0x108;
	_ =	swait.ge @!p0 [sflag:s8], $0x0  }
0x24: {  	s3 =	sadd.s32 $0x88, s3;
	s6 =	simm.s32 @!p1 $0x1082;
	[sflag:s4] =	ssyncset.s32 $0xFFFFF086  }
0x25: {  	[simem:s6], [sflag:s4] =	dma.local [hbm:s3], $0xF7A  }
0x26: {  	[smem:$0x3F9F] =	sst s1;
	(tag) =	ssettag s2;
	_ =	strace s9  }
0x27: {  	s1 =	sld [smem:$0x3FAF]  }
0x28: {  	s2 =	sld [smem:$0x3FB0]  }
0x29: {  	s4 =	sld [smem:$0x3FB2]  }
0x2a: {  	p0 =	seq.s32 s5, $0x0;
	s5 =	sld [smem:$0x3FB3]  }
0x2b: {  	s6 =	sld [smem:$0x3FB4]  }
0x2c: {  	s7 =	sld [smem:$0x3FB5]  }
0x2d: {  	s3 =	simm.s32 $0x108;
	s8 =	sld [smem:$0x3FB6]  }
0x2e: {  	s3 =	simm.s32 @!p0 $0x1082;
	s9 =	sld [smem:$0x3FB7]  }
0x2f: {  	lr =	sadd.s32 s0, s3;
	s0 =	sld [smem:$0x3FAE]  }
0x30: {  	s3 =	sld [smem:$0x3FB1]  }
0x31: {  	[smem:$0x3FBA] =	sst s10  }
0x32: {  	s10 =	sld [smem:$0x3FB8];
	_ =	sdelay $0x3  }
0x33: {  	p0 =	seq.s32 s10, $0x1;
	s10 =	sld [smem:$0x3FBA];
	_ =	sdelay $0x3  }
0x34: {  	[smem:$0x3FBA] =	sst s10  }
0x35: {  	s10 =	sld [smem:$0x3FB9];
	_ =	sdelay $0x3  }
0x36: {  	p1 =	seq.s32 s10, $0x1;
	s10 =	sld [smem:$0x3FBA];
	_ =	sdelay $0x3  }
0x37: {  	[smem:$0x3FBA] =	sst s10  }
0x38: {  	s10 =	sld [smem:$0x3FBB]  }
0x39: {  	_ = 	snop;
	(pc) =	sbr.ind lr, $3  }
0x3a: {  	_ = 	snop  }
0x3b: {  	_ = 	snop  }
0x3c: {  	p2 =	seq.s32 s10, $0x1;
	s10 =	sld [smem:$0x3FBA]  }
0x3d: {  	_ =	shalt  }
0x3e: {  	_ =	shalt  }
0x3f: {  	_ =	shalt  }
0x40: {  	_ =	shalt  }
0x41: {  	_ =	shalt  }
0x42: {  	_ =	shalt  }
0x43: {  	_ =	shalt  }
0x44: {  	_ =	shalt  }
0x45: {  	_ =	shalt  }
0x46: {  	_ =	shalt  }
0x47: {  	_ =	shalt  }
0x48: {  	_ =	shalt  }
0x49: {  	_ =	shalt  }
0x4a: {  	_ =	shalt  }
0x4b: {  	_ =	shalt  }
0x4c: {  	_ =	shalt  }
0x4d: {  	_ =	shalt  }
0x4e: {  	_ =	shalt  }
0x4f: {  	_ =	shalt  }
0x50: {  	_ =	shalt  }
0x51: {  	_ =	shalt  }
0x52: {  	_ =	shalt  }
0x53: {  	_ =	shalt  }
0x54: {  	_ =	shalt  }
0x55: {  	_ =	shalt  }
0x56: {  	_ =	shalt  }
0x57: {  	_ =	shalt  }
0x58: {  	_ =	shalt  }
0x59: {  	_ =	shalt  }
0x5a: {  	_ =	shalt  }
0x5b: {  	_ =	shalt  }
0x5c: {  	_ =	shalt  }
0x5d: {  	_ =	shalt  }
0x5e: {  	_ =	shalt  }
0x5f: {  	_ =	shalt  }
0x60: {  	_ =	shalt  }
0x61: {  	_ =	shalt  }
0x62: {  	_ =	shalt  }
0x63: {  	_ =	shalt  }
0x64: {  	_ =	shalt  }
0x65: {  	_ =	shalt  }
0x66: {  	_ =	shalt  }
0x67: {  	_ =	shalt  }
0x68: {  	_ =	shalt  }
0x69: {  	_ =	shalt  }
0x6a: {  	_ =	shalt  }
0x6b: {  	_ =	shalt  }
0x6c: {  	_ =	shalt  }
0x6d: {  	_ =	shalt  }
0x6e: {  	_ =	shalt  }
0x6f: {  	_ =	shalt  }
0x70: {  	_ =	shalt  }
0x71: {  	_ =	shalt  }
0x72: {  	_ =	shalt  }
0x73: {  	_ =	shalt  }
0x74: {  	_ =	shalt  }
0x75: {  	_ =	shalt  }
0x76: {  	_ =	shalt  }
0x77: {  	_ =	shalt  }
0x78: {  	_ =	shalt  }
0x79: {  	_ =	shalt  }
0x7a: {  	_ =	shalt  }
0x7b: {  	_ =	shalt  }
0x7c: {  	_ =	shalt  }
0x7d: {  	_ =	shalt  }
0x7e: {  	_ =	shalt  }
0x7f: {  	_ =	shalt  }
0x80: {  	_ =	shalt  }
0x81: {  	_ =	shalt  }
0x82: {  	_ =	shalt  }
0x83: {  	_ =	shalt  }
0x84: {  	_ =	shalt  }
0x85: {  	_ =	shalt  }
0x86: {  	_ =	shalt  }
0x87: {  	_ =	shalt  }
.Lfunc_end0:
.L_simem_size_0:
called_computation_lowered:
.L_overlay_start_0:
0x88: {  	s2 =	sld [smem:$0x3FD9]  }
0x89: {  	s3 =	sld [smem:$0x3FFE];
	_ =	sdelay $0x1  }
0x8a: {  	s1 =	srdreg.scid  }
0x8b: {  	s0 =	sand.u32 $0x1, s1  }
0x8c: {  	s14 =	sshll.u32 s0, $0xA;
	s2 =	sadd.s32 s3, s2  }
0x8d: {  	s2 =	sadd.s32 s2, s14  }
0x8e: {  	[smem:$0x3FC6] =	sst s2  }
0x8f: {  	_ = 	snop  }
0x90: {  	s2 =	sld [smem:$0x3FD0];
	_ =	sdelay $0x2  }
0x91: {  	s4 =	simm.s32 $0xA;
	s5 =	simm.s32 $0x10;
	s15 =	sld [smem:$0x3FC8]  }
0x92: {  	[smem:s5], [sflag:s4] =	dma.local [hbm:s2], $0x1  }
0x93: {  	_ =	swait.eq [sflag:s4], $0x1  }
0x94: {  	[sflag:s4] =	ssyncset.done $0x0  }
0x95: {  	[sflag:s4] =	ssyncadd.s32 $0xFFFFFFFF  }
0x96: {  	s16 =	sld [smem:$0x10];
	(tm) =	ssettm $0x1  }
0x97: {  	s17 =	sld [smem:$0x3FFB];
	_ =	sdelay $0x3  }
0x98: {  	_ =	strace s17  }
0x99: {  	s4 =	sld [smem:$0x3FFC];
	_ =	sdelay $0x3  }
0x9a: {  	_ =	strace s4  }
0x9b: {  	s4 =	sld [smem:$0x3FFD];
	_ =	sdelay $0x3  }
0x9c: {  	_ =	strace s4  }
0x9d: {  	_ =	strace $0x8FFFFFFF  }
0x9e: {  	s18 =	sld [smem:$0x3FDB];
	_ =	sdelay $0x1  }
0x9f: {  	s19 =	simm.s32 $_scs_section_size  }
0xa0: {  	s6 =	simm.s32 $_size__tile_overlayer_lowered;
	s7 =	simm.s32 $_tile_overlayer_lowered  }
0xa1: {  	s22 =	simm.s32 $0x1BFF;
	s21 =	sshll.u32 s7, $0x1;
	s4 =	sadd.s32 s19, s18  }
0xa2: {  	s8 =	simm.s32 $0x0;
	s20 =	sshll.u32 s6, $0x1;
	s6 =	sadd.s32 s21, s4  }
0xa3: {  	[timem:s8], [sflag:s22] =	dma.local [hbm:s6], s20  }
0xa4: {  	_ =	swait.ge [sflag:s22], s20  }
0xa5: {  	s5 =	ssub.s32 $0x0, s20;
	[sflag:s22] =	ssyncset.done $0x0  }
0xa6: {  	[sflag:s22] =	ssyncadd.s32 s5;
	_ =	sdelay $0x1  }
0xa7: {  	s23 =	simm.s32 $0x1B8B  }
0xa8: {  	_ =	swait.ge [sflag:s23], $0x1  }
0xa9: {  	[sflag:s23] =	ssyncset.done $0x0  }
0xaa: {  	s25 =	simm.s32 $0x1B8E;
	s24 =	sld [smem:$0x3FFE];
	[sflag:s23] =	ssyncadd.s32 $0xFFFFFFFF  }
0xab: {  	s26 =	simm.s32 $execute0_lowered;
	[smem:$0x3FD2] =	sst s25  }
0xac: {  	s6 =	sshll.u32 s26, $0x1;
	_ =	strace $0x80000046;
	[dreg:$0x1] =	wrdreg $0xFFFFFFFF  }
0xad: {  	s28 =	simm.s32 $_size_execute0_lowered;
	s4 =	sadd.s32 s4, s6;
	[dreg:$0x0] =	wrdreg $0x0  }
0xae: {  	s6 =	sshll.u32 s28, $0x1;
	[dreg:$0x2] =	wrdreg s4  }
0xaf: {  	[dreg:$0x3] =	wrdreg s6  }
0xb0: {  	[dreg:$0x4] =	wrdreg $0xC0  }
0xb1: {  	_ =	task [dreg:s8], $0x5FFFF  }
0xb2: {  	[dreg:$0x1] =	wrdreg $0xFFFFFFFF  }
0xb3: {  	[dreg:$0x0] =	wrdreg $0x60  }
0xb4: {  	[dreg:$0x2] =	wrdreg s24  }
0xb5: {  	[dreg:$0x3] =	wrdreg s15  }
0xb6: {  	[dreg:$0x4] =	wrdreg s16  }
0xb7: {  	[dreg:$0x5] =	wrdreg $0x9  }
0xb8: {  	_ =	task.clear_ibuf [dreg:s8], $0x6FFFF;
	_ =	strace $0x90000046  }
0xb9: {  	s29 =	simm.s32 $0x9;
	_ =	strace $0x80000048  }
0xba: {  	_ =	swait.ge [sflag:s29], $0x1  }
0xbb: {  	[sflag:s29] =	ssyncadd.s32 $0xFFFFFFFF  }
0xbc: {  	_ =	strace $0x90000048  }
0xbd: {  	_ =	sfence  }
0xbe: {  	s30 =	sld [smem:$0x0];
	_ =	sdelay $0x2  }
0xbf: {  	s31 =	sshll.u32 s1, $0xD;
	s1 =	sshrl.u32 s1, $0x2  }
0xc0: {  	s3 =	sand.u32 $0x4000, s31;
	s1 =	sadd.s32 s1, s30  }
0xc1: {  	s0 =	sor.u32 s3, s0;
	s1 =	sshll.u32 s1, $0x11  }
0xc2: {  	s0 =	sor.u32 s1, s0  }
0xc3: {  	s0 =	sadd.s32 $0x8F2B, s0  }
0xc4: {  	[sflag:s0] =	ssyncadd.remote.s32 $0x1  }
0xc5: {  	_ =	sfence.sel $0xFFFF  }
0xc6: {  	[dreg:$0x0] =	wrdreg $0xFFFFFFFF;
	(pc) =	sbr.abs _section_cstart, $3  }
0xc7: {  	[dreg:$0x1] =	wrdreg $0xFFFFFFFF  }
0xc8: {  	_ =	task.clear_ibuf [dreg:s8], $0x2FFFF;
	_ =	strace $0x9FFFFFFF  }
0xc9: {  	(tm) =	ssettm $0x7FFFFFFF  }
tec
execute0_lowered:
.L_overlay_start_1:
0x0: {  	(tag) =	ssettag $0x1  }
0x1: {  	s14 =	rddreg [dreg:$0x0]  }
0x2: {  	s2 =	rddreg [dreg:$0x1];
	s1 =	srdreg.scid  }
0x3: {  	s0 =	stileid.u32;
	s15 =	rddreg [dreg:$0x2];
	s20 =	simm.s32 $0x1080  }
0x4: {  	s21 =	simm.s32 $0x1880;
	s22 =	simm.s32 $0x2080;
	s23 =	simm.s32 $0x2880  }
0x5: {  	s28 =	simm.s32 $0x4880;
	s4 =	sand.u32 $0x1, s1;
	s3 =	sshll.u32 s0, $0x1  }
0x6: {  	s29 =	simm.s32 $0x5080;
	s30 =	simm.s32 $0x5880;
	s5 =	sor.u32 s4, s3  }
0x7: {  	s31 =	simm.s32 $0x1;
	s3 =	simm.s32 $0x0;
	s13 =	smul.u32 $0x240, s5  }
0x8: {  	s4 =	ssub.s32 $0x2, s4;
	[smem:$0x7FF] =	sst s3;
	s5 =	smul.u32 $0x4800, s5  }
0x9: {  	s1 =	rddreg [dreg:$0x3];
	s6 =	sshrl.u32 s4, $0x1;
	_ =	strace $0x80000047  }
0xa: {  	s16 =	ssub.s32 s4, s6;
	s24 =	sshrl.u32 s13, $0x3;
	s5 =	sadd.s32 s15, s5  }
0xb: {  	s25 =	sadd.s32 $0x60, s13;
	s9 =	sadd.s32 $0xC0, s13;
	s11 =	sadd.s32 $0x120, s13  }
0xc: {  	s17 =	sadd.s32 $0x180, s13;
	s13 =	sadd.s32 $0x1E0, s13;
	s16 =	smax.u32 s16, $0x1  }
0xd: {  	s4 =	sadd.s32 s14, s24;
	s7 =	sshrl.u32 s25, $0x3;
	s8 =	sshll.u32 s25, $0x5  }
0xe: {  	s26 =	sshrl.u32 s9, $0x3;
	s9 =	sshll.u32 s9, $0x5;
	s10 =	sshrl.u32 s11, $0x3  }
0xf: {  	s11 =	sshll.u32 s11, $0x5;
	s12 =	sshrl.u32 s17, $0x3;
	s17 =	sshll.u32 s17, $0x5  }
0x10: {  	s18 =	sshrl.u32 s13, $0x3;
	s19 =	sshll.u32 s13, $0x5;
	s24 =	simm.s32 $0x3080  }
0x11: {  	s25 =	simm.s32 $0x3880;
	s6 =	sadd.s32 s14, s7;
	s7 =	sadd.s32 s15, s8  }
0x12: {  	s8 =	sadd.s32 s14, s26;
	s9 =	sadd.s32 s15, s9;
	s10 =	sadd.s32 s14, s10  }
0x13: {  	v2 =	vlaneseq.u32;
	s11 =	sadd.s32 s15, s11;
	s12 =	sadd.s32 s14, s12;
	s13 =	sadd.s32 s15, s17  }
0x14: {  	vm0 =	vmmov $0xffff;
	v1 =	vshrl.u32 v2, $0x3;
	s14 =	sadd.s32 s14, s18;
	s15 =	sadd.s32 s15, s19;
	s17 =	simm.s32 $0x2  }
0x15: {  	v0 =	vand.u32 $0x7, v2;
	v2 =	vor.u32 $0x8, v2;
	v1 =	vmul.u32 $0x8, v1;
	s18 =	simm.s32 $0x80;
	s19 =	simm.s32 $0x880;
	s26 =	simm.s32 $0x4080  }
.LBB2_1:
0x16: {  	[tilespmem:s3], [sflag:$0x2] =	stream.linear.gather [hbm4b:s4+s3], $0x60, $0x38;
	[tilespmem:$0x6080] =	vst v63  }
0x17: {  	_ =	swait.ge [sflag:s17], $0x60  }
0x18: {  	[sflag:s17] =	ssyncset.done $0x0  }
0x19: {  	[sflag:s17] =	ssyncadd.s32 $0xFFFFFFA0  }
0x1a: {  	v3 =	vld [tilespmem:$0x0];
	_ =	sdelay $0x4  }
0x1b: {  	v4 =	vshll.u32 v3, $0x1  }
0x1c: {  	v3 =	vand.u32 $0x7, v3;
	v4 =	vand.u32 $0xFFFFFFF0, v4  }
0x1d: {  	v3 =	vor.u32 v3, v4  }
0x1e: {  	v4 =	vperm.xlane v3, v0;
	_ =	sdelay $0x1  }
0x1f: {  	v3 =	vperm.xlane v3, v2;
	v4 =	vadd.s32 v1, v4;
	_ =	sdelay $0x1  }
0x20: {  	v3 =	vadd.s32 v1, v3;
	_ =	sdelay $0x2  }
0x21: {  	[tilespmem:s18], [sflag:$0x1] =	stream.indirect_vreg.gather [hbm4b:s2+s3], $0x80, v4, vm0, $0xb8;
	[tilespmem:$0x6080] =	vst v63  }
0x22: {  	_ = 	snop  }
0x23: {  	[tilespmem:s19], [sflag:$0x1] =	stream.indirect_vreg.gather [hbm4b:s2+s3], $0x80, v3, vm0, $0xb8;
	[tilespmem:$0x6080] =	vst v63  }
0x24: {  	v3 =	vld [tilespmem:$0x10];
	_ =	sdelay $0x4  }
0x25: {  	v29 =	vshll.u32 v3, $0x1  }
0x26: {  	v3 =	vand.u32 $0x7, v3;
	v4 =	vand.u32 $0xFFFFFFF0, v29  }
0x27: {  	v3 =	vor.u32 v3, v4  }
0x28: {  	v4 =	vperm.xlane v3, v0;
	_ =	sdelay $0x1  }
0x29: {  	v3 =	vperm.xlane v3, v2;
	v4 =	vadd.s32 v1, v4;
	_ =	sdelay $0x1  }
0x2a: {  	v3 =	vadd.s32 v1, v3;
	_ =	sdelay $0x2  }
0x2b: {  	[tilespmem:s20], [sflag:$0x1] =	stream.indirect_vreg.gather [hbm4b:s2+s3], $0x80, v4, vm0, $0xb8;
	[tilespmem:$0x6080] =	vst v63  }
0x2c: {  	_ = 	snop  }
0x2d: {  	[tilespmem:s21], [sflag:$0x1] =	stream.indirect_vreg.gather [hbm4b:s2+s3], $0x80, v3, vm0, $0xb8;
	[tilespmem:$0x6080] =	vst v63  }
0x2e: {  	v3 =	vld [tilespmem:$0x20];
	_ =	sdelay $0x4  }
0x2f: {  	v30 =	vshll.u32 v3, $0x1  }
0x30: {  	v3 =	vand.u32 $0x7, v3;
	v4 =	vand.u32 $0xFFFFFFF0, v30  }
0x31: {  	v3 =	vor.u32 v3, v4  }
0x32: {  	v4 =	vperm.xlane v3, v0;
	_ =	sdelay $0x1  }
0x33: {  	v3 =	vperm.xlane v3, v2;
	v4 =	vadd.s32 v1, v4;
	_ =	sdelay $0x1  }
0x34: {  	v3 =	vadd.s32 v1, v3;
	_ =	sdelay $0x2  }
0x35: {  	[tilespmem:s22], [sflag:$0x1] =	stream.indirect_vreg.gather [hbm4b:s2+s3], $0x80, v4, vm0, $0xb8;
	[tilespmem:$0x6080] =	vst v63  }
0x36: {  	_ = 	snop  }
0x37: {  	[tilespmem:s23], [sflag:$0x1] =	stream.indirect_vreg.gather [hbm4b:s2+s3], $0x80, v3, vm0, $0xb8;
	[tilespmem:$0x6080] =	vst v63  }
0x38: {  	v3 =	vld [tilespmem:$0x30];
	_ =	sdelay $0x4  }
0x39: {  	v31 =	vshll.u32 v3, $0x1  }
0x3a: {  	v3 =	vand.u32 $0x7, v3;
	v4 =	vand.u32 $0xFFFFFFF0, v31  }
0x3b: {  	v3 =	vor.u32 v3, v4  }
0x3c: {  	v4 =	vperm.xlane v3, v0;
	_ =	sdelay $0x1  }
0x3d: {  	v3 =	vperm.xlane v3, v2;
	v4 =	vadd.s32 v1, v4;
	_ =	sdelay $0x1  }
0x3e: {  	v3 =	vadd.s32 v1, v3;
	_ =	sdelay $0x2  }
0x3f: {  	[tilespmem:s24], [sflag:$0x1] =	stream.indirect_vreg.gather [hbm4b:s2+s3], $0x80, v4, vm0, $0xb8;
	[tilespmem:$0x6080] =	vst v63  }
0x40: {  	_ = 	snop  }
0x41: {  	[tilespmem:s25], [sflag:$0x1] =	stream.indirect_vreg.gather [hbm4b:s2+s3], $0x80, v3, vm0, $0xb8;
	[tilespmem:$0x6080] =	vst v63  }
0x42: {  	v3 =	vld [tilespmem:$0x40];
	_ =	sdelay $0x4  }
0x43: {  	v32 =	vshll.u32 v3, $0x1  }
0x44: {  	v3 =	vand.u32 $0x7, v3;
	v4 =	vand.u32 $0xFFFFFFF0, v32  }
0x45: {  	v3 =	vor.u32 v3, v4  }
0x46: {  	v4 =	vperm.xlane v3, v0;
	_ =	sdelay $0x1  }
0x47: {  	v3 =	vperm.xlane v3, v2;
	v4 =	vadd.s32 v1, v4;
	_ =	sdelay $0x1  }
0x48: {  	v3 =	vadd.s32 v1, v3;
	_ =	sdelay $0x2  }
0x49: {  	[tilespmem:s26], [sflag:$0x1] =	stream.indirect_vreg.gather [hbm4b:s2+s3], $0x80, v4, vm0, $0xb8;
	[tilespmem:$0x6080] =	vst v63  }
0x4a: {  	_ = 	snop  }
0x4b: {  	[tilespmem:s28], [sflag:$0x1] =	stream.indirect_vreg.gather [hbm4b:s2+s3], $0x80, v3, vm0, $0xb8;
	[tilespmem:$0x6080] =	vst v63  }
0x4c: {  	v3 =	vld [tilespmem:$0x50];
	_ =	sdelay $0x4  }
0x4d: {  	v33 =	vshll.u32 v3, $0x1  }
0x4e: {  	v3 =	vand.u32 $0x7, v3;
	v4 =	vand.u32 $0xFFFFFFF0, v33  }
0x4f: {  	v3 =	vor.u32 v3, v4  }
0x50: {  	v4 =	vperm.xlane v3, v0;
	_ =	sdelay $0x1  }
0x51: {  	v3 =	vperm.xlane v3, v2;
	v4 =	vadd.s32 v1, v4;
	_ =	sdelay $0x1  }
0x52: {  	v3 =	vadd.s32 v1, v3;
	_ =	sdelay $0x2  }
0x53: {  	[tilespmem:s29], [sflag:$0x1] =	stream.indirect_vreg.gather [hbm4b:s2+s3], $0x80, v4, vm0, $0xb8;
	[tilespmem:$0x6080] =	vst v63  }
0x54: {  	_ = 	snop  }
0x55: {  	[tilespmem:s30], [sflag:$0x1] =	stream.indirect_vreg.gather [hbm4b:s2+s3], $0x80, v3, vm0, $0xb8;
	[tilespmem:$0x6080] =	vst v63  }
0x56: {  	_ =	swait.ge [sflag:s31], $0x6000  }
0x57: {  	[sflag:s31] =	ssyncset.done $0x0  }
0x58: {  	[sflag:s31] =	ssyncadd.s32 $0xFFFFA000  }
0x59: {  	[hbm4b:s5+s3] =	stream.linear.scatter [tilespmem:s18], [sflag:$0x2], $0x6000, $0x38;
	[tilespmem:$0x6080] =	vst v63  }
0x5a: {  	_ =	swait.ge [sflag:s17], $0x6000  }
0x5b: {  	[sflag:s17] =	ssyncset.done $0x0  }
0x5c: {  	[sflag:s17] =	ssyncadd.s32 $0xFFFFA000  }
0x5d: {  	[tilespmem:s3], [sflag:$0x2] =	stream.linear.gather [hbm4b:s6+s3], $0x60, $0x38;
	[tilespmem:$0x6080] =	vst v63  }
0x5e: {  	_ =	swait.ge [sflag:s17], $0x60  }
0x5f: {  	[sflag:s17] =	ssyncset.done $0x0  }
0x60: {  	[sflag:s17] =	ssyncadd.s32 $0xFFFFFFA0  }
0x61: {  	v3 =	vld [tilespmem:$0x0];
	_ =	sdelay $0x4  }
0x62: {  	v34 =	vshll.u32 v3, $0x1  }
0x63: {  	v3 =	vand.u32 $0x7, v3;
	v4 =	vand.u32 $0xFFFFFFF0, v34  }
0x64: {  	v3 =	vor.u32 v3, v4  }
0x65: {  	v4 =	vperm.xlane v3, v0;
	_ =	sdelay $0x1  }
0x66: {  	v3 =	vperm.xlane v3, v2;
	v4 =	vadd.s32 v1, v4;
	_ =	sdelay $0x1  }
0x67: {  	v3 =	vadd.s32 v1, v3;
	_ =	sdelay $0x2  }
0x68: {  	[tilespmem:s18], [sflag:$0x1] =	stream.indirect_vreg.gather [hbm4b:s2+s3], $0x80, v4, vm0, $0xb8;
	[tilespmem:$0x6080] =	vst v63  }
0x69: {  	_ = 	snop  }
0x6a: {  	[tilespmem:s19], [sflag:$0x1] =	stream.indirect_vreg.gather [hbm4b:s2+s3], $0x80, v3, vm0, $0xb8;
	[tilespmem:$0x6080] =	vst v63  }
0x6b: {  	v3 =	vld [tilespmem:$0x10];
	_ =	sdelay $0x4  }
0x6c: {  	v35 =	vshll.u32 v3, $0x1  }
0x6d: {  	v3 =	vand.u32 $0x7, v3;
	v4 =	vand.u32 $0xFFFFFFF0, v35  }
0x6e: {  	v3 =	vor.u32 v3, v4  }
0x6f: {  	v4 =	vperm.xlane v3, v0;
	_ =	sdelay $0x1  }
0x70: {  	v3 =	vperm.xlane v3, v2;
	v4 =	vadd.s32 v1, v4;
	_ =	sdelay $0x1  }
0x71: {  	v3 =	vadd.s32 v1, v3;
	_ =	sdelay $0x2  }
0x72: {  	[tilespmem:s20], [sflag:$0x1] =	stream.indirect_vreg.gather [hbm4b:s2+s3], $0x80, v4, vm0, $0xb8;
	[tilespmem:$0x6080] =	vst v63  }
0x73: {  	_ = 	snop  }
0x74: {  	[tilespmem:s21], [sflag:$0x1] =	stream.indirect_vreg.gather [hbm4b:s2+s3], $0x80, v3, vm0, $0xb8;
	[tilespmem:$0x6080] =	vst v63  }
0x75: {  	v3 =	vld [tilespmem:$0x20];
	_ =	sdelay $0x4  }
0x76: {  	v36 =	vshll.u32 v3, $0x1  }
0x77: {  	v3 =	vand.u32 $0x7, v3;
	v4 =	vand.u32 $0xFFFFFFF0, v36  }
0x78: {  	v3 =	vor.u32 v3, v4  }
0x79: {  	v4 =	vperm.xlane v3, v0;
	_ =	sdelay $0x1  }
0x7a: {  	v3 =	vperm.xlane v3, v2;
	v4 =	vadd.s32 v1, v4;
	_ =	sdelay $0x1  }
0x7b: {  	v3 =	vadd.s32 v1, v3;
	_ =	sdelay $0x2  }
0x7c: {  	[tilespmem:s22], [sflag:$0x1] =	stream.indirect_vreg.gather [hbm4b:s2+s3], $0x80, v4, vm0, $0xb8;
	[tilespmem:$0x6080] =	vst v63  }
0x7d: {  	_ = 	snop  }
0x7e: {  	[tilespmem:s23], [sflag:$0x1] =	stream.indirect_vreg.gather [hbm4b:s2+s3], $0x80, v3, vm0, $0xb8;
	[tilespmem:$0x6080] =	vst v63  }
0x7f: {  	v3 =	vld [tilespmem:$0x30];
	_ =	sdelay $0x4  }
0x80: {  	v37 =	vshll.u32 v3, $0x1  }
0x81: {  	v3 =	vand.u32 $0x7, v3;
	v4 =	vand.u32 $0xFFFFFFF0, v37  }
0x82: {  	v3 =	vor.u32 v3, v4  }
0x83: {  	v4 =	vperm.xlane v3, v0;
	_ =	sdelay $0x1  }
0x84: {  	v3 =	vperm.xlane v3, v2;
	v4 =	vadd.s32 v1, v4;
	_ =	sdelay $0x1  }
0x85: {  	v3 =	vadd.s32 v1, v3;
	_ =	sdelay $0x2  }
0x86: {  	[tilespmem:s24], [sflag:$0x1] =	stream.indirect_vreg.gather [hbm4b:s2+s3], $0x80, v4, vm0, $0xb8;
	[tilespmem:$0x6080] =	vst v63  }
0x87: {  	_ = 	snop  }
0x88: {  	[tilespmem:s25], [sflag:$0x1] =	stream.indirect_vreg.gather [hbm4b:s2+s3], $0x80, v3, vm0, $0xb8;
	[tilespmem:$0x6080] =	vst v63  }
0x89: {  	v3 =	vld [tilespmem:$0x40];
	_ =	sdelay $0x4  }
0x8a: {  	v38 =	vshll.u32 v3, $0x1  }
0x8b: {  	v3 =	vand.u32 $0x7, v3;
	v4 =	vand.u32 $0xFFFFFFF0, v38  }
0x8c: {  	v3 =	vor.u32 v3, v4  }
0x8d: {  	v4 =	vperm.xlane v3, v0;
	_ =	sdelay $0x1  }
0x8e: {  	v3 =	vperm.xlane v3, v2;
	v4 =	vadd.s32 v1, v4;
	_ =	sdelay $0x1  }
0x8f: {  	v3 =	vadd.s32 v1, v3;
	_ =	sdelay $0x2  }
0x90: {  	[tilespmem:s26], [sflag:$0x1] =	stream.indirect_vreg.gather [hbm4b:s2+s3], $0x80, v4, vm0, $0xb8;
	[tilespmem:$0x6080] =	vst v63  }
0x91: {  	_ = 	snop  }
0x92: {  	[tilespmem:s28], [sflag:$0x1] =	stream.indirect_vreg.gather [hbm4b:s2+s3], $0x80, v3, vm0, $0xb8;
	[tilespmem:$0x6080] =	vst v63  }
0x93: {  	v3 =	vld [tilespmem:$0x50];
	_ =	sdelay $0x4  }
0x94: {  	v39 =	vshll.u32 v3, $0x1  }
0x95: {  	v3 =	vand.u32 $0x7, v3;
	v4 =	vand.u32 $0xFFFFFFF0, v39  }
0x96: {  	v3 =	vor.u32 v3, v4  }
0x97: {  	v4 =	vperm.xlane v3, v0;
	_ =	sdelay $0x1  }
0x98: {  	v3 =	vperm.xlane v3, v2;
	v4 =	vadd.s32 v1, v4;
	_ =	sdelay $0x1  }
0x99: {  	v3 =	vadd.s32 v1, v3;
	_ =	sdelay $0x2  }
0x9a: {  	[tilespmem:s29], [sflag:$0x1] =	stream.indirect_vreg.gather [hbm4b:s2+s3], $0x80, v4, vm0, $0xb8;
	[tilespmem:$0x6080] =	vst v63  }
0x9b: {  	_ = 	snop  }
0x9c: {  	[tilespmem:s30], [sflag:$0x1] =	stream.indirect_vreg.gather [hbm4b:s2+s3], $0x80, v3, vm0, $0xb8;
	[tilespmem:$0x6080] =	vst v63  }
0x9d: {  	_ =	swait.ge [sflag:s31], $0x6000  }
0x9e: {  	[sflag:s31] =	ssyncset.done $0x0  }
0x9f: {  	[sflag:s31] =	ssyncadd.s32 $0xFFFFA000  }
0xa0: {  	[hbm4b:s7+s3] =	stream.linear.scatter [tilespmem:s18], [sflag:$0x2], $0x6000, $0x38;
	[tilespmem:$0x6080] =	vst v63  }
0xa1: {  	_ =	swait.ge [sflag:s17], $0x6000  }
0xa2: {  	[sflag:s17] =	ssyncset.done $0x0  }
0xa3: {  	[sflag:s17] =	ssyncadd.s32 $0xFFFFA000  }
0xa4: {  	[tilespmem:s3], [sflag:$0x2] =	stream.linear.gather [hbm4b:s8+s3], $0x60, $0x38;
	[tilespmem:$0x6080] =	vst v63  }
0xa5: {  	_ =	swait.ge [sflag:s17], $0x60  }
0xa6: {  	[sflag:s17] =	ssyncset.done $0x0  }
0xa7: {  	[sflag:s17] =	ssyncadd.s32 $0xFFFFFFA0  }
0xa8: {  	v3 =	vld [tilespmem:$0x0];
	_ =	sdelay $0x4  }
0xa9: {  	v40 =	vshll.u32 v3, $0x1  }
0xaa: {  	v3 =	vand.u32 $0x7, v3;
	v4 =	vand.u32 $0xFFFFFFF0, v40  }
0xab: {  	v3 =	vor.u32 v3, v4  }
0xac: {  	v4 =	vperm.xlane v3, v0;
	_ =	sdelay $0x1  }
0xad: {  	v3 =	vperm.xlane v3, v2;
	v4 =	vadd.s32 v1, v4;
	_ =	sdelay $0x1  }
0xae: {  	v3 =	vadd.s32 v1, v3;
	_ =	sdelay $0x2  }
0xaf: {  	[tilespmem:s18], [sflag:$0x1] =	stream.indirect_vreg.gather [hbm4b:s2+s3], $0x80, v4, vm0, $0xb8;
	[tilespmem:$0x6080] =	vst v63  }
0xb0: {  	_ = 	snop  }
0xb1: {  	[tilespmem:s19], [sflag:$0x1] =	stream.indirect_vreg.gather [hbm4b:s2+s3], $0x80, v3, vm0, $0xb8;
	[tilespmem:$0x6080] =	vst v63  }
0xb2: {  	v3 =	vld [tilespmem:$0x10];
	_ =	sdelay $0x4  }
0xb3: {  	v41 =	vshll.u32 v3, $0x1  }
0xb4: {  	v3 =	vand.u32 $0x7, v3;
	v4 =	vand.u32 $0xFFFFFFF0, v41  }
0xb5: {  	v3 =	vor.u32 v3, v4  }
0xb6: {  	v4 =	vperm.xlane v3, v0;
	_ =	sdelay $0x1  }
0xb7: {  	v3 =	vperm.xlane v3, v2;
	v4 =	vadd.s32 v1, v4;
	_ =	sdelay $0x1  }
0xb8: {  	v3 =	vadd.s32 v1, v3;
	_ =	sdelay $0x2  }
0xb9: {  	[tilespmem:s20], [sflag:$0x1] =	stream.indirect_vreg.gather [hbm4b:s2+s3], $0x80, v4, vm0, $0xb8;
	[tilespmem:$0x6080] =	vst v63  }
0xba: {  	_ = 	snop  }
0xbb: {  	[tilespmem:s21], [sflag:$0x1] =	stream.indirect_vreg.gather [hbm4b:s2+s3], $0x80, v3, vm0, $0xb8;
	[tilespmem:$0x6080] =	vst v63  }
0xbc: {  	v3 =	vld [tilespmem:$0x20];
	_ =	sdelay $0x4  }
0xbd: {  	v42 =	vshll.u32 v3, $0x1  }
0xbe: {  	v3 =	vand.u32 $0x7, v3;
	v4 =	vand.u32 $0xFFFFFFF0, v42  }
0xbf: {  	v3 =	vor.u32 v3, v4  }
0xc0: {  	v4 =	vperm.xlane v3, v0;
	_ =	sdelay $0x1  }
0xc1: {  	v3 =	vperm.xlane v3, v2;
	v4 =	vadd.s32 v1, v4;
	_ =	sdelay $0x1  }
0xc2: {  	v3 =	vadd.s32 v1, v3;
	_ =	sdelay $0x2  }
0xc3: {  	[tilespmem:s22], [sflag:$0x1] =	stream.indirect_vreg.gather [hbm4b:s2+s3], $0x80, v4, vm0, $0xb8;
	[tilespmem:$0x6080] =	vst v63  }
0xc4: {  	_ = 	snop  }
0xc5: {  	[tilespmem:s23], [sflag:$0x1] =	stream.indirect_vreg.gather [hbm4b:s2+s3], $0x80, v3, vm0, $0xb8;
	[tilespmem:$0x6080] =	vst v63  }
0xc6: {  	v3 =	vld [tilespmem:$0x30];
	_ =	sdelay $0x4  }
0xc7: {  	v43 =	vshll.u32 v3, $0x1  }
0xc8: {  	v3 =	vand.u32 $0x7, v3;
	v4 =	vand.u32 $0xFFFFFFF0, v43  }
0xc9: {  	v3 =	vor.u32 v3, v4  }
0xca: {  	v4 =	vperm.xlane v3, v0;
	_ =	sdelay $0x1  }
0xcb: {  	v3 =	vperm.xlane v3, v2;
	v4 =	vadd.s32 v1, v4;
	_ =	sdelay $0x1  }
0xcc: {  	v3 =	vadd.s32 v1, v3;
	_ =	sdelay $0x2  }
0xcd: {  	[tilespmem:s24], [sflag:$0x1] =	stream.indirect_vreg.gather [hbm4b:s2+s3], $0x80, v4, vm0, $0xb8;
	[tilespmem:$0x6080] =	vst v63  }
0xce: {  	_ = 	snop  }
0xcf: {  	[tilespmem:s25], [sflag:$0x1] =	stream.indirect_vreg.gather [hbm4b:s2+s3], $0x80, v3, vm0, $0xb8;
	[tilespmem:$0x6080] =	vst v63  }
0xd0: {  	v3 =	vld [tilespmem:$0x40];
	_ =	sdelay $0x4  }
0xd1: {  	v44 =	vshll.u32 v3, $0x1  }
0xd2: {  	v3 =	vand.u32 $0x7, v3;
	v4 =	vand.u32 $0xFFFFFFF0, v44  }
0xd3: {  	v3 =	vor.u32 v3, v4  }
0xd4: {  	v4 =	vperm.xlane v3, v0;
	_ =	sdelay $0x1  }
0xd5: {  	v3 =	vperm.xlane v3, v2;
	v4 =	vadd.s32 v1, v4;
	_ =	sdelay $0x1  }
0xd6: {  	v3 =	vadd.s32 v1, v3;
	_ =	sdelay $0x2  }
0xd7: {  	[tilespmem:s26], [sflag:$0x1] =	stream.indirect_vreg.gather [hbm4b:s2+s3], $0x80, v4, vm0, $0xb8;
	[tilespmem:$0x6080] =	vst v63  }
0xd8: {  	_ = 	snop  }
0xd9: {  	[tilespmem:s28], [sflag:$0x1] =	stream.indirect_vreg.gather [hbm4b:s2+s3], $0x80, v3, vm0, $0xb8;
	[tilespmem:$0x6080] =	vst v63  }
0xda: {  	v3 =	vld [tilespmem:$0x50];
	_ =	sdelay $0x4  }
0xdb: {  	v45 =	vshll.u32 v3, $0x1  }
0xdc: {  	v3 =	vand.u32 $0x7, v3;
	v4 =	vand.u32 $0xFFFFFFF0, v45  }
0xdd: {  	v3 =	vor.u32 v3, v4  }
0xde: {  	v4 =	vperm.xlane v3, v0;
	_ =	sdelay $0x1  }
0xdf: {  	v3 =	vperm.xlane v3, v2;
	v4 =	vadd.s32 v1, v4;
	_ =	sdelay $0x1  }
0xe0: {  	v3 =	vadd.s32 v1, v3;
	_ =	sdelay $0x2  }
0xe1: {  	[tilespmem:s29], [sflag:$0x1] =	stream.indirect_vreg.gather [hbm4b:s2+s3], $0x80, v4, vm0, $0xb8;
	[tilespmem:$0x6080] =	vst v63  }
0xe2: {  	_ = 	snop  }
0xe3: {  	[tilespmem:s30], [sflag:$0x1] =	stream.indirect_vreg.gather [hbm4b:s2+s3], $0x80, v3, vm0, $0xb8;
	[tilespmem:$0x6080] =	vst v63  }
0xe4: {  	_ =	swait.ge [sflag:s31], $0x6000  }
0xe5: {  	[sflag:s31] =	ssyncset.done $0x0  }
0xe6: {  	[sflag:s31] =	ssyncadd.s32 $0xFFFFA000  }
0xe7: {  	[hbm4b:s9+s3] =	stream.linear.scatter [tilespmem:s18], [sflag:$0x2], $0x6000, $0x38;
	[tilespmem:$0x6080] =	vst v63  }
0xe8: {  	_ =	swait.ge [sflag:s17], $0x6000  }
0xe9: {  	[sflag:s17] =	ssyncset.done $0x0  }
0xea: {  	[sflag:s17] =	ssyncadd.s32 $0xFFFFA000  }
0xeb: {  	[tilespmem:s3], [sflag:$0x2] =	stream.linear.gather [hbm4b:s10+s3], $0x60, $0x38;
	[tilespmem:$0x6080] =	vst v63  }
0xec: {  	_ =	swait.ge [sflag:s17], $0x60  }
0xed: {  	[sflag:s17] =	ssyncset.done $0x0  }
0xee: {  	[sflag:s17] =	ssyncadd.s32 $0xFFFFFFA0  }
0xef: {  	v3 =	vld [tilespmem:$0x0];
	_ =	sdelay $0x4  }
0xf0: {  	v46 =	vshll.u32 v3, $0x1  }
0xf1: {  	v3 =	vand.u32 $0x7, v3;
	v4 =	vand.u32 $0xFFFFFFF0, v46  }
0xf2: {  	v3 =	vor.u32 v3, v4  }
0xf3: {  	v4 =	vperm.xlane v3, v0;
	_ =	sdelay $0x1  }
0xf4: {  	v3 =	vperm.xlane v3, v2;
	v4 =	vadd.s32 v1, v4;
	_ =	sdelay $0x1  }
0xf5: {  	v3 =	vadd.s32 v1, v3;
	_ =	sdelay $0x2  }
0xf6: {  	[tilespmem:s18], [sflag:$0x1] =	stream.indirect_vreg.gather [hbm4b:s2+s3], $0x80, v4, vm0, $0xb8;
	[tilespmem:$0x6080] =	vst v63  }
0xf7: {  	_ = 	snop  }
0xf8: {  	[tilespmem:s19], [sflag:$0x1] =	stream.indirect_vreg.gather [hbm4b:s2+s3], $0x80, v3, vm0, $0xb8;
	[tilespmem:$0x6080] =	vst v63  }
0xf9: {  	v3 =	vld [tilespmem:$0x10];
	_ =	sdelay $0x4  }
0xfa: {  	v47 =	vshll.u32 v3, $0x1  }
0xfb: {  	v3 =	vand.u32 $0x7, v3;
	v4 =	vand.u32 $0xFFFFFFF0, v47  }
0xfc: {  	v3 =	vor.u32 v3, v4  }
0xfd: {  	v4 =	vperm.xlane v3, v0;
	_ =	sdelay $0x1  }
0xfe: {  	v3 =	vperm.xlane v3, v2;
	v4 =	vadd.s32 v1, v4;
	_ =	sdelay $0x1  }
0xff: {  	v3 =	vadd.s32 v1, v3;
	_ =	sdelay $0x2  }
0x100: {  	[tilespmem:s20], [sflag:$0x1] =	stream.indirect_vreg.gather [hbm4b:s2+s3], $0x80, v4, vm0, $0xb8;
	[tilespmem:$0x6080] =	vst v63  }
0x101: {  	_ = 	snop  }
0x102: {  	[tilespmem:s21], [sflag:$0x1] =	stream.indirect_vreg.gather [hbm4b:s2+s3], $0x80, v3, vm0, $0xb8;
	[tilespmem:$0x6080] =	vst v63  }
0x103: {  	v3 =	vld [tilespmem:$0x20];
	_ =	sdelay $0x4  }
0x104: {  	v48 =	vshll.u32 v3, $0x1  }
0x105: {  	v3 =	vand.u32 $0x7, v3;
	v4 =	vand.u32 $0xFFFFFFF0, v48  }
0x106: {  	v3 =	vor.u32 v3, v4  }
0x107: {  	v4 =	vperm.xlane v3, v0;
	_ =	sdelay $0x1  }
0x108: {  	v3 =	vperm.xlane v3, v2;
	v4 =	vadd.s32 v1, v4;
	_ =	sdelay $0x1  }
0x109: {  	v3 =	vadd.s32 v1, v3;
	_ =	sdelay $0x2  }
0x10a: {  	[tilespmem:s22], [sflag:$0x1] =	stream.indirect_vreg.gather [hbm4b:s2+s3], $0x80, v4, vm0, $0xb8;
	[tilespmem:$0x6080] =	vst v63  }
0x10b: {  	_ = 	snop  }
0x10c: {  	[tilespmem:s23], [sflag:$0x1] =	stream.indirect_vreg.gather [hbm4b:s2+s3], $0x80, v3, vm0, $0xb8;
	[tilespmem:$0x6080] =	vst v63  }
0x10d: {  	v3 =	vld [tilespmem:$0x30];
	_ =	sdelay $0x4  }
0x10e: {  	v49 =	vshll.u32 v3, $0x1  }
0x10f: {  	v3 =	vand.u32 $0x7, v3;
	v4 =	vand.u32 $0xFFFFFFF0, v49  }
0x110: {  	v3 =	vor.u32 v3, v4  }
0x111: {  	v4 =	vperm.xlane v3, v0;
	_ =	sdelay $0x1  }
0x112: {  	v3 =	vperm.xlane v3, v2;
	v4 =	vadd.s32 v1, v4;
	_ =	sdelay $0x1  }
0x113: {  	v3 =	vadd.s32 v1, v3;
	_ =	sdelay $0x2  }
0x114: {  	[tilespmem:s24], [sflag:$0x1] =	stream.indirect_vreg.gather [hbm4b:s2+s3], $0x80, v4, vm0, $0xb8;
	[tilespmem:$0x6080] =	vst v63  }
0x115: {  	_ = 	snop  }
0x116: {  	[tilespmem:s25], [sflag:$0x1] =	stream.indirect_vreg.gather [hbm4b:s2+s3], $0x80, v3, vm0, $0xb8;
	[tilespmem:$0x6080] =	vst v63  }
0x117: {  	v3 =	vld [tilespmem:$0x40];
	_ =	sdelay $0x4  }
0x118: {  	v50 =	vshll.u32 v3, $0x1  }
0x119: {  	v3 =	vand.u32 $0x7, v3;
	v4 =	vand.u32 $0xFFFFFFF0, v50  }
0x11a: {  	v3 =	vor.u32 v3, v4  }
0x11b: {  	v4 =	vperm.xlane v3, v0;
	_ =	sdelay $0x1  }
0x11c: {  	v3 =	vperm.xlane v3, v2;
	v4 =	vadd.s32 v1, v4;
	_ =	sdelay $0x1  }
0x11d: {  	v3 =	vadd.s32 v1, v3;
	_ =	sdelay $0x2  }
0x11e: {  	[tilespmem:s26], [sflag:$0x1] =	stream.indirect_vreg.gather [hbm4b:s2+s3], $0x80, v4, vm0, $0xb8;
	[tilespmem:$0x6080] =	vst v63  }
0x11f: {  	_ = 	snop  }
0x120: {  	[tilespmem:s28], [sflag:$0x1] =	stream.indirect_vreg.gather [hbm4b:s2+s3], $0x80, v3, vm0, $0xb8;
	[tilespmem:$0x6080] =	vst v63  }
0x121: {  	v3 =	vld [tilespmem:$0x50];
	_ =	sdelay $0x4  }
0x122: {  	v51 =	vshll.u32 v3, $0x1  }
0x123: {  	v3 =	vand.u32 $0x7, v3;
	v4 =	vand.u32 $0xFFFFFFF0, v51  }
0x124: {  	v3 =	vor.u32 v3, v4  }
0x125: {  	v4 =	vperm.xlane v3, v0;
	_ =	sdelay $0x1  }
0x126: {  	v3 =	vperm.xlane v3, v2;
	v4 =	vadd.s32 v1, v4;
	_ =	sdelay $0x1  }
0x127: {  	v3 =	vadd.s32 v1, v3;
	_ =	sdelay $0x2  }
0x128: {  	[tilespmem:s29], [sflag:$0x1] =	stream.indirect_vreg.gather [hbm4b:s2+s3], $0x80, v4, vm0, $0xb8;
	[tilespmem:$0x6080] =	vst v63  }
0x129: {  	_ = 	snop  }
0x12a: {  	[tilespmem:s30], [sflag:$0x1] =	stream.indirect_vreg.gather [hbm4b:s2+s3], $0x80, v3, vm0, $0xb8;
	[tilespmem:$0x6080] =	vst v63  }
0x12b: {  	_ =	swait.ge [sflag:s31], $0x6000  }
0x12c: {  	[sflag:s31] =	ssyncset.done $0x0  }
0x12d: {  	[sflag:s31] =	ssyncadd.s32 $0xFFFFA000  }
0x12e: {  	[hbm4b:s11+s3] =	stream.linear.scatter [tilespmem:s18], [sflag:$0x2], $0x6000, $0x38;
	[tilespmem:$0x6080] =	vst v63  }
0x12f: {  	_ =	swait.ge [sflag:s17], $0x6000  }
0x130: {  	[sflag:s17] =	ssyncset.done $0x0  }
0x131: {  	[sflag:s17] =	ssyncadd.s32 $0xFFFFA000  }
0x132: {  	[tilespmem:s3], [sflag:$0x2] =	stream.linear.gather [hbm4b:s12+s3], $0x60, $0x38;
	[tilespmem:$0x6080] =	vst v63  }
0x133: {  	_ =	swait.ge [sflag:s17], $0x60  }
0x134: {  	[sflag:s17] =	ssyncset.done $0x0  }
0x135: {  	[sflag:s17] =	ssyncadd.s32 $0xFFFFFFA0  }
0x136: {  	v3 =	vld [tilespmem:$0x0];
	_ =	sdelay $0x4  }
0x137: {  	v52 =	vshll.u32 v3, $0x1  }
0x138: {  	v3 =	vand.u32 $0x7, v3;
	v4 =	vand.u32 $0xFFFFFFF0, v52  }
0x139: {  	v3 =	vor.u32 v3, v4  }
0x13a: {  	v4 =	vperm.xlane v3, v0;
	_ =	sdelay $0x1  }
0x13b: {  	v3 =	vperm.xlane v3, v2;
	v4 =	vadd.s32 v1, v4;
	_ =	sdelay $0x1  }
0x13c: {  	v3 =	vadd.s32 v1, v3;
	_ =	sdelay $0x2  }
0x13d: {  	[tilespmem:s18], [sflag:$0x1] =	stream.indirect_vreg.gather [hbm4b:s2+s3], $0x80, v4, vm0, $0xb8;
	[tilespmem:$0x6080] =	vst v63  }
0x13e: {  	_ = 	snop  }
0x13f: {  	[tilespmem:s19], [sflag:$0x1] =	stream.indirect_vreg.gather [hbm4b:s2+s3], $0x80, v3, vm0, $0xb8;
	[tilespmem:$0x6080] =	vst v63  }
0x140: {  	v3 =	vld [tilespmem:$0x10];
	_ =	sdelay $0x4  }
0x141: {  	v53 =	vshll.u32 v3, $0x1  }
0x142: {  	v3 =	vand.u32 $0x7, v3;
	v4 =	vand.u32 $0xFFFFFFF0, v53  }
0x143: {  	v3 =	vor.u32 v3, v4  }
0x144: {  	v4 =	vperm.xlane v3, v0;
	_ =	sdelay $0x1  }
0x145: {  	v3 =	vperm.xlane v3, v2;
	v4 =	vadd.s32 v1, v4;
	_ =	sdelay $0x1  }
0x146: {  	v3 =	vadd.s32 v1, v3;
	_ =	sdelay $0x2  }
0x147: {  	[tilespmem:s20], [sflag:$0x1] =	stream.indirect_vreg.gather [hbm4b:s2+s3], $0x80, v4, vm0, $0xb8;
	[tilespmem:$0x6080] =	vst v63  }
0x148: {  	_ = 	snop  }
0x149: {  	[tilespmem:s21], [sflag:$0x1] =	stream.indirect_vreg.gather [hbm4b:s2+s3], $0x80, v3, vm0, $0xb8;
	[tilespmem:$0x6080] =	vst v63  }
0x14a: {  	v3 =	vld [tilespmem:$0x20];
	_ =	sdelay $0x4  }
0x14b: {  	v54 =	vshll.u32 v3, $0x1  }
0x14c: {  	v3 =	vand.u32 $0x7, v3;
	v4 =	vand.u32 $0xFFFFFFF0, v54  }
0x14d: {  	v3 =	vor.u32 v3, v4  }
0x14e: {  	v4 =	vperm.xlane v3, v0;
	_ =	sdelay $0x1  }
0x14f: {  	v3 =	vperm.xlane v3, v2;
	v4 =	vadd.s32 v1, v4;
	_ =	sdelay $0x1  }
0x150: {  	v3 =	vadd.s32 v1, v3;
	_ =	sdelay $0x2  }
0x151: {  	[tilespmem:s22], [sflag:$0x1] =	stream.indirect_vreg.gather [hbm4b:s2+s3], $0x80, v4, vm0, $0xb8;
	[tilespmem:$0x6080] =	vst v63  }
0x152: {  	_ = 	snop  }
0x153: {  	[tilespmem:s23], [sflag:$0x1] =	stream.indirect_vreg.gather [hbm4b:s2+s3], $0x80, v3, vm0, $0xb8;
	[tilespmem:$0x6080] =	vst v63  }
0x154: {  	v3 =	vld [tilespmem:$0x30];
	_ =	sdelay $0x4  }
0x155: {  	v55 =	vshll.u32 v3, $0x1  }
0x156: {  	v3 =	vand.u32 $0x7, v3;
	v4 =	vand.u32 $0xFFFFFFF0, v55  }
0x157: {  	v3 =	vor.u32 v3, v4  }
0x158: {  	v4 =	vperm.xlane v3, v0;
	_ =	sdelay $0x1  }
0x159: {  	v3 =	vperm.xlane v3, v2;
	v4 =	vadd.s32 v1, v4;
	_ =	sdelay $0x1  }
0x15a: {  	v3 =	vadd.s32 v1, v3;
	_ =	sdelay $0x2  }
0x15b: {  	[tilespmem:s24], [sflag:$0x1] =	stream.indirect_vreg.gather [hbm4b:s2+s3], $0x80, v4, vm0, $0xb8;
	[tilespmem:$0x6080] =	vst v63  }
0x15c: {  	_ = 	snop  }
0x15d: {  	[tilespmem:s25], [sflag:$0x1] =	stream.indirect_vreg.gather [hbm4b:s2+s3], $0x80, v3, vm0, $0xb8;
	[tilespmem:$0x6080] =	vst v63  }
0x15e: {  	v3 =	vld [tilespmem:$0x40];
	_ =	sdelay $0x4  }
0x15f: {  	v56 =	vshll.u32 v3, $0x1  }
0x160: {  	v3 =	vand.u32 $0x7, v3;
	v4 =	vand.u32 $0xFFFFFFF0, v56  }
0x161: {  	v3 =	vor.u32 v3, v4  }
0x162: {  	v4 =	vperm.xlane v3, v0;
	_ =	sdelay $0x1  }
0x163: {  	v3 =	vperm.xlane v3, v2;
	v4 =	vadd.s32 v1, v4;
	_ =	sdelay $0x1  }
0x164: {  	v3 =	vadd.s32 v1, v3;
	_ =	sdelay $0x2  }
0x165: {  	[tilespmem:s26], [sflag:$0x1] =	stream.indirect_vreg.gather [hbm4b:s2+s3], $0x80, v4, vm0, $0xb8;
	[tilespmem:$0x6080] =	vst v63  }
0x166: {  	_ = 	snop  }
0x167: {  	[tilespmem:s28], [sflag:$0x1] =	stream.indirect_vreg.gather [hbm4b:s2+s3], $0x80, v3, vm0, $0xb8;
	[tilespmem:$0x6080] =	vst v63  }
0x168: {  	v3 =	vld [tilespmem:$0x50];
	_ =	sdelay $0x4  }
0x169: {  	v57 =	vshll.u32 v3, $0x1  }
0x16a: {  	v3 =	vand.u32 $0x7, v3;
	v4 =	vand.u32 $0xFFFFFFF0, v57  }
0x16b: {  	v3 =	vor.u32 v3, v4  }
0x16c: {  	v4 =	vperm.xlane v3, v0;
	_ =	sdelay $0x1  }
0x16d: {  	v3 =	vperm.xlane v3, v2;
	v4 =	vadd.s32 v1, v4;
	_ =	sdelay $0x1  }
0x16e: {  	v3 =	vadd.s32 v1, v3;
	_ =	sdelay $0x2  }
0x16f: {  	[tilespmem:s29], [sflag:$0x1] =	stream.indirect_vreg.gather [hbm4b:s2+s3], $0x80, v4, vm0, $0xb8;
	[tilespmem:$0x6080] =	vst v63  }
0x170: {  	_ = 	snop  }
0x171: {  	[tilespmem:s30], [sflag:$0x1] =	stream.indirect_vreg.gather [hbm4b:s2+s3], $0x80, v3, vm0, $0xb8;
	[tilespmem:$0x6080] =	vst v63  }
0x172: {  	_ =	swait.ge [sflag:s31], $0x6000  }
0x173: {  	[sflag:s31] =	ssyncset.done $0x0  }
0x174: {  	[sflag:s31] =	ssyncadd.s32 $0xFFFFA000  }
0x175: {  	[hbm4b:s13+s3] =	stream.linear.scatter [tilespmem:s18], [sflag:$0x2], $0x6000, $0x38;
	[tilespmem:$0x6080] =	vst v63  }
0x176: {  	_ =	swait.ge [sflag:s17], $0x6000  }
0x177: {  	[sflag:s17] =	ssyncset.done $0x0  }
0x178: {  	[sflag:s17] =	ssyncadd.s32 $0xFFFFA000  }
0x179: {  	[tilespmem:s3], [sflag:$0x2] =	stream.linear.gather [hbm4b:s14+s3], $0x60, $0x38;
	[tilespmem:$0x6080] =	vst v63  }
0x17a: {  	_ =	swait.ge [sflag:s17], $0x60  }
0x17b: {  	[sflag:s17] =	ssyncset.done $0x0  }
0x17c: {  	[sflag:s17] =	ssyncadd.s32 $0xFFFFFFA0  }
0x17d: {  	v3 =	vld [tilespmem:$0x0];
	_ =	sdelay $0x4  }
0x17e: {  	v58 =	vshll.u32 v3, $0x1  }
0x17f: {  	v3 =	vand.u32 $0x7, v3;
	v4 =	vand.u32 $0xFFFFFFF0, v58  }
0x180: {  	v3 =	vor.u32 v3, v4  }
0x181: {  	v4 =	vperm.xlane v3, v0;
	_ =	sdelay $0x1  }
0x182: {  	v3 =	vperm.xlane v3, v2;
	v4 =	vadd.s32 v1, v4;
	_ =	sdelay $0x1  }
0x183: {  	v3 =	vadd.s32 v1, v3;
	_ =	sdelay $0x2  }
0x184: {  	[tilespmem:s18], [sflag:$0x1] =	stream.indirect_vreg.gather [hbm4b:s2+s3], $0x80, v4, vm0, $0xb8;
	[tilespmem:$0x6080] =	vst v63  }
0x185: {  	_ = 	snop  }
0x186: {  	[tilespmem:s19], [sflag:$0x1] =	stream.indirect_vreg.gather [hbm4b:s2+s3], $0x80, v3, vm0, $0xb8;
	[tilespmem:$0x6080] =	vst v63  }
0x187: {  	v3 =	vld [tilespmem:$0x10];
	_ =	sdelay $0x4  }
0x188: {  	v59 =	vshll.u32 v3, $0x1  }
0x189: {  	v3 =	vand.u32 $0x7, v3;
	v4 =	vand.u32 $0xFFFFFFF0, v59  }
0x18a: {  	v3 =	vor.u32 v3, v4  }
0x18b: {  	v4 =	vperm.xlane v3, v0;
	_ =	sdelay $0x1  }
0x18c: {  	v3 =	vperm.xlane v3, v2;
	v4 =	vadd.s32 v1, v4;
	_ =	sdelay $0x1  }
0x18d: {  	v3 =	vadd.s32 v1, v3;
	_ =	sdelay $0x2  }
0x18e: {  	[tilespmem:s20], [sflag:$0x1] =	stream.indirect_vreg.gather [hbm4b:s2+s3], $0x80, v4, vm0, $0xb8;
	[tilespmem:$0x6080] =	vst v63  }
0x18f: {  	_ = 	snop  }
0x190: {  	[tilespmem:s21], [sflag:$0x1] =	stream.indirect_vreg.gather [hbm4b:s2+s3], $0x80, v3, vm0, $0xb8;
	[tilespmem:$0x6080] =	vst v63  }
0x191: {  	v3 =	vld [tilespmem:$0x20];
	_ =	sdelay $0x4  }
0x192: {  	v60 =	vshll.u32 v3, $0x1  }
0x193: {  	v3 =	vand.u32 $0x7, v3;
	v4 =	vand.u32 $0xFFFFFFF0, v60  }
0x194: {  	v3 =	vor.u32 v3, v4  }
0x195: {  	v4 =	vperm.xlane v3, v0;
	_ =	sdelay $0x1  }
0x196: {  	v3 =	vperm.xlane v3, v2;
	v4 =	vadd.s32 v1, v4;
	_ =	sdelay $0x1  }
0x197: {  	v3 =	vadd.s32 v1, v3;
	_ =	sdelay $0x2  }
0x198: {  	[tilespmem:s22], [sflag:$0x1] =	stream.indirect_vreg.gather [hbm4b:s2+s3], $0x80, v4, vm0, $0xb8;
	[tilespmem:$0x6080] =	vst v63  }
0x199: {  	_ = 	snop  }
0x19a: {  	[tilespmem:s23], [sflag:$0x1] =	stream.indirect_vreg.gather [hbm4b:s2+s3], $0x80, v3, vm0, $0xb8;
	[tilespmem:$0x6080] =	vst v63  }
0x19b: {  	v3 =	vld [tilespmem:$0x30];
	_ =	sdelay $0x4  }
0x19c: {  	v61 =	vshll.u32 v3, $0x1  }
0x19d: {  	v3 =	vand.u32 $0x7, v3;
	v4 =	vand.u32 $0xFFFFFFF0, v61  }
0x19e: {  	v3 =	vor.u32 v3, v4  }
0x19f: {  	v4 =	vperm.xlane v3, v0;
	_ =	sdelay $0x1  }
0x1a0: {  	v3 =	vperm.xlane v3, v2;
	v4 =	vadd.s32 v1, v4;
	_ =	sdelay $0x1  }
0x1a1: {  	v3 =	vadd.s32 v1, v3;
	_ =	sdelay $0x2  }
0x1a2: {  	[tilespmem:s24], [sflag:$0x1] =	stream.indirect_vreg.gather [hbm4b:s2+s3], $0x80, v4, vm0, $0xb8;
	[tilespmem:$0x6080] =	vst v63  }
0x1a3: {  	_ = 	snop  }
0x1a4: {  	[tilespmem:s25], [sflag:$0x1] =	stream.indirect_vreg.gather [hbm4b:s2+s3], $0x80, v3, vm0, $0xb8;
	[tilespmem:$0x6080] =	vst v63  }
0x1a5: {  	v3 =	vld [tilespmem:$0x40];
	_ =	sdelay $0x4  }
0x1a6: {  	v62 =	vshll.u32 v3, $0x1  }
0x1a7: {  	v3 =	vand.u32 $0x7, v3;
	v4 =	vand.u32 $0xFFFFFFF0, v62  }
0x1a8: {  	v3 =	vor.u32 v3, v4  }
0x1a9: {  	v4 =	vperm.xlane v3, v0;
	_ =	sdelay $0x1  }
0x1aa: {  	v3 =	vperm.xlane v3, v2;
	v4 =	vadd.s32 v1, v4;
	_ =	sdelay $0x1  }
0x1ab: {  	v3 =	vadd.s32 v1, v3;
	_ =	sdelay $0x2  }
0x1ac: {  	[tilespmem:s26], [sflag:$0x1] =	stream.indirect_vreg.gather [hbm4b:s2+s3], $0x80, v4, vm0, $0xb8;
	[tilespmem:$0x6080] =	vst v63  }
0x1ad: {  	_ = 	snop  }
0x1ae: {  	[tilespmem:s28], [sflag:$0x1] =	stream.indirect_vreg.gather [hbm4b:s2+s3], $0x80, v3, vm0, $0xb8;
	[tilespmem:$0x6080] =	vst v63  }
0x1af: {  	v3 =	vld [tilespmem:$0x50];
	_ =	sdelay $0x4  }
0x1b0: {  	v63 =	vshll.u32 v3, $0x1  }
0x1b1: {  	v3 =	vand.u32 $0x7, v3;
	v4 =	vand.u32 $0xFFFFFFF0, v63  }
0x1b2: {  	v3 =	vor.u32 v3, v4  }
0x1b3: {  	v4 =	vperm.xlane v3, v0;
	_ =	sdelay $0x1  }
0x1b4: {  	v3 =	vperm.xlane v3, v2;
	v4 =	vadd.s32 v1, v4;
	_ =	sdelay $0x1  }
0x1b5: {  	v3 =	vadd.s32 v1, v3;
	_ =	sdelay $0x2  }
0x1b6: {  	[tilespmem:s29], [sflag:$0x1] =	stream.indirect_vreg.gather [hbm4b:s2+s3], $0x80, v4, vm0, $0xb8;
	[tilespmem:$0x6080] =	vst v63  }
0x1b7: {  	_ = 	snop  }
0x1b8: {  	[tilespmem:s30], [sflag:$0x1] =	stream.indirect_vreg.gather [hbm4b:s2+s3], $0x80, v3, vm0, $0xb8;
	[tilespmem:$0x6080] =	vst v63  }
0x1b9: {  	_ =	swait.ge [sflag:s31], $0x6000  }
0x1ba: {  	p0 =	sne.s32 s16, $0x1;
	[sflag:s31] =	ssyncset.done $0x0  }
.Ltmp0:
0x1bb: {  	[sflag:s31] =	ssyncadd.s32 $0xFFFFA000;
	(pc) =	sbr.rel @p0 .LBB2_1-.Ltmp0, $4  }
0x1bc: {  	[hbm4b:s15+s3] =	stream.linear.scatter [tilespmem:s18], [sflag:$0x2], $0x6000, $0x38;
	[tilespmem:$0x6080] =	vst v63  }
0x1bd: {  	_ =	swait.ge [sflag:s17], $0x6000  }
0x1be: {  	[sflag:s17] =	ssyncset.done $0x0  }
0x1bf: {  	s16 =	sadd.s32 $0xFFFFFFFF, s16;
	[sflag:s17] =	ssyncadd.s32 $0xFFFFA000  }
0x1c0: {  	_ =	sfence.sel $0x180000  }
0x1c1: {  	[bflag:$0x0] =	sbarrier.arrive $0xFFFF  }
0x1c2: {  	p0 =	sne.s32 s0, $0x0;
	_ =	strace $0x90000047  }
0x1c3: {  	s0 =	sadd.s32 @!p0 $0x100000, s1;
	[bflag:$0x2] =	sbarrier.arrive $0xFFFF  }
0x1c4: {  	[sflag:s0] =	ssyncadd.tile.s32 @!p0 $0x1;
	_ =	shalt  }
.Lfunc_end2:
_tile_overlayer_lowered:
.L_overlay_start_2:
0x1c5: {  	(tag) =	ssettag $0x2  }
0x1c6: {  	s0 =	rddreg [dreg:$0x0];
	s2 =	stileid.u32  }
0x1c7: {  	s1 =	rddreg [dreg:$0x1];
	p0 =	sne.s32 s2, $0x0  }
0x1c8: {  	s3 =	rddreg [dreg:$0x2];
	[bflag:$0x3] =	sbarrier.arrive $0xFFFF;
	s2 =	simm.s32 @!p0 $0x1C02  }
0x1c9: {  	[timem:s3], [sflag:s2] =	dma.local @!p0 [hbm:s0], s1  }
0x1ca: {  	s0 =	simm.s32 @!p0 $0x2  }
0x1cb: {  	_ =	swait.ge @!p0 [sflag:s0], s1  }
0x1cc: {  	s1 =	ssub.s32 @!p0 $0x0, s1;
	[sflag:s0] =	ssyncset.done @!p0 $0x0  }
0x1cd: {  	[sflag:s0] =	ssyncadd.s32 @!p0 s1  }
0x1ce: {  	[bflag:$0x3] =	sbarrier.arrive $0xFFFF  }
0x1cf: {  	_ =	shalt  }

</sc_bundles>
